<compile_context>
chip_gen: v7x
topology: tpu7x:2x2x1
jax: 0.10.2.dev20260603
libtpu: 0.0.44.dev20260713+nightly
codegen_flags: <defaults>
</compile_context>

<pallas_src>
import jax
import jax.numpy as jnp
from jax import lax
from jax.experimental import pallas as pl
from jax.experimental.pallas import tpu as pltpu
from jax.experimental.pallas import tpu_sc as plsc

_B = 16384 * 50
_D = 64
_NW = 32
_BPW = _B // _NW
_CH = 128
_NCH = _BPW // _CH
_NBUF = 10
_LOOK = _NBUF - 1
_NGRP = _NCH // _NBUF
_IDXROWS = _BPW // 128


def _emb_body(table_hbm, idx_hbm, out_hbm, idx_v, rows_v, sem_g, sem_s):
    wid = lax.axis_index("s") * 2 + lax.axis_index("c")
    base = wid * _BPW

    idx_row0 = pl.multiple_of(wid * _IDXROWS, 8)
    pltpu.sync_copy(idx_hbm.at[pl.ds(idx_row0, _IDXROWS)], idx_v)

    def fire_gather(i, b):
        pltpu.async_copy(table_hbm.at[idx_v.at[i]], rows_v.at[b],
                         sem_g.at[b])

    def wait_gather(b):
        pltpu.make_async_copy(out_hbm.at[pl.ds(0, _CH)], rows_v.at[b],
                              sem_g.at[b]).wait()

    def fire_store(i, b):
        pltpu.async_copy(rows_v.at[b], out_hbm.at[pl.ds(base + i * _CH, _CH)],
                         sem_s.at[b])

    def wait_store(b):
        pltpu.make_async_copy(rows_v.at[b], out_hbm.at[pl.ds(0, _CH)],
                              sem_s.at[b]).wait()

    for j in range(_LOOK):
        fire_gather(j, j)

    def group(g, carry):
        for b in range(_NBUF):
            i = g * _NBUF + b
            j_slot = (b + _LOOK) % _NBUF

            @pl.when(i + _LOOK < _NCH)
            def _():
                @pl.when(i > 0)
                def _():
                    wait_store(j_slot)
                fire_gather(i + _LOOK, j_slot)

            wait_gather(b)
            fire_store(i, b)
        return carry

    lax.fori_loop(0, _NGRP, group, 0)
    for j in range(_LOOK + 1):
        wait_store(j)


def kernel(x, embedding):
    idx = x.reshape(_B // 128, 128)
    run = pl.kernel(
        _emb_body,
        mesh=plsc.VectorSubcoreMesh(core_axis_name="c", subcore_axis_name="s"),
        out_type=jax.ShapeDtypeStruct((_B, _D), jnp.float32),
        scratch_types=[
            pltpu.VMEM((_IDXROWS, 128), jnp.int32),
            pltpu.VMEM((_NBUF, _CH, _D), jnp.float32),
            pltpu.SemaphoreType.DMA((_NBUF,)),
            pltpu.SemaphoreType.DMA((_NBUF,)),
        ],
        compiler_params=pltpu.CompilerParams(use_tc_tiling_on_sc=False),
    )
    out = run(embedding, idx)
    return out.reshape(x.shape + (_D,))

# --- scband reference (transcript-rebuilt; emitter-appended) ---
"""Pipeline reference for scband-token-embedding-22565758174011 (READ-ONLY COPY).

The authoritative reference and input builder live on the scoring server;
editing this copy changes nothing except your own understanding.
"""

import jax, jax.numpy as jnp
import numpy as np

NUM_TOKENS = 1000000
EMBED_DIM = 64
BATCH = 16384
SEQ = 50


def setup_inputs(seed: int = 0) -> dict:
    key = jax.random.key(seed)
    k_idx, k_emb = jax.random.split(key)
    x = jax.random.randint(k_idx, (BATCH, SEQ), 0, NUM_TOKENS, dtype=jnp.int64 if jax.config.jax_enable_x64 else jnp.int32).astype(jnp.int32)
    embedding = 0.02 * jax.random.normal(k_emb, (NUM_TOKENS, EMBED_DIM), dtype=jnp.float32)
    return {"x": x, "embedding": embedding}


def reference(x, embedding):
    # Faithful translation of TokenEmbedding.forward: x = self.embedding[x]
    return jnp.take(embedding, x, axis=0)

if __name__ == "__main__":
    import jax
    _d = setup_inputs()
    print(jax.jit(kernel)(*tuple(_d.values())))

</pallas_src>

<mosaic_0001>
#map = affine_map<(d0, d1) -> (0, 0)>
module attributes {stable_mosaic.version = 14 : i64} {
  func.func @_emb_body(%arg0: i32, %arg1: i32, %arg2: memref<1000000x64xf32, #tpu.memory_space<hbm>>, %arg3: memref<6400x128xi32, #tpu.memory_space<hbm>>, %arg4: memref<819200x64xf32, #tpu.memory_space<hbm>>, %arg5: memref<200x128xi32, #tpu.memory_space<vmem>>, %arg6: memref<10x128x64xf32, #tpu.memory_space<vmem>>, %arg7: memref<10x!tpu.dma_semaphore, #tpu.memory_space<semaphore_mem>>, %arg8: memref<10x!tpu.dma_semaphore, #tpu.memory_space<semaphore_mem>>) attributes {dimension_semantics = [#tpu.dimension_semantics<core_parallel>, #tpu.dimension_semantics<subcore_parallel>], iteration_bounds = array<i64: 2, 16>, scalar_prefetch = 0 : i64, scratch_operands = 4 : i64, tpu.core_type = #tpu.core_type<sc_vector_subcore>, window_params = [{transform_indices = #map}, {transform_indices = #map}, {transform_indices = #map}]} {
    %mul3A = arith.constant 2 : i32
    %mul3A_0 = arith.muli %arg1, %mul3A : i32
    %add3A = arith.addi %mul3A_0, %arg0 : i32
    %mul3A_1 = arith.constant 25600 : i32
    %mul3A_2 = arith.muli %add3A, %mul3A_1 : i32
    %mul3A_3 = arith.constant 200 : i32
    %mul3A_4 = arith.muli %add3A, %mul3A_3 : i32
    %multiple_of3A = tpu.assume_multiple %mul3A_4, 8 : i32
    "tpu.region"() ({
      %run_scoped3A = tpu.sem_alloc : memref<!tpu.dma_semaphore, #tpu.memory_space<semaphore_mem>>
      %dma_start3A_323 = arith.constant 0 : i32
      %dma_start3A_324 = tpu.memref_slice %arg3[%multiple_of3A, %dma_start3A_323] : memref<6400x128xi32, #tpu.memory_space<hbm>> -> memref<200x128xi32, #tpu.memory_space<hbm>>
      %dma_start3A_325 = arith.constant 0 : i32
      %dma_start3A_326 = tpu.memref_slice %arg3[%multiple_of3A, %dma_start3A_325] : memref<6400x128xi32, #tpu.memory_space<hbm>> -> memref<200x128xi32, #tpu.memory_space<hbm>>
      tpu.enqueue_dma source(%dma_start3A_326 : memref<200x128xi32, #tpu.memory_space<hbm>>) target(%arg5 : memref<200x128xi32, #tpu.memory_space<vmem>>) target_semaphore(%run_scoped3A : memref<!tpu.dma_semaphore, #tpu.memory_space<semaphore_mem>>)
      %dma_wait3A_327 = arith.constant 0 : i32
      %dma_wait3A_328 = tpu.memref_slice %arg3[%multiple_of3A, %dma_wait3A_327] : memref<6400x128xi32, #tpu.memory_space<hbm>> -> memref<200x128xi32, #tpu.memory_space<hbm>>
      %dma_wait3A_329 = arith.constant 0 : i32
      %dma_wait3A_330 = tpu.memref_slice %arg3[%multiple_of3A, %dma_wait3A_329] : memref<6400x128xi32, #tpu.memory_space<hbm>> -> memref<200x128xi32, #tpu.memory_space<hbm>>
      tpu.wait_dma2 semaphore(%run_scoped3A : memref<!tpu.dma_semaphore, #tpu.memory_space<semaphore_mem>>) src(%dma_wait3A_330 : memref<200x128xi32, #tpu.memory_space<hbm>>) dst(%arg5 : memref<200x128xi32, #tpu.memory_space<vmem>>)
      tpu.yield
    }) : () -> ()
    %dma_start3A = arith.constant 0 : i32
    %dma_start3A_5 = arith.constant 0 : i32
    %dma_start3A_6 = arith.constant 0 : i32
    %dma_start3A_7 = arith.constant 0 : i32
    %dma_start3A_8 = arith.constant 0 : i32
    %dma_start3A_9 = tpu.memref_slice %arg6[%dma_start3A_5, %dma_start3A_7, %dma_start3A_8] : memref<10x128x64xf32, #tpu.memory_space<vmem>> -> memref<1x128x64xf32, #tpu.memory_space<vmem>>
    %dma_start3A_10 = tpu.memref_squeeze %dma_start3A_9 : memref<1x128x64xf32, #tpu.memory_space<vmem>> -> memref<128x64xf32, #tpu.memory_space<vmem>>
    %dma_start3A_11 = arith.constant 0 : i32
    %dma_start3A_12 = tpu.memref_slice %arg5[%dma_start3A, %dma_start3A_11] : memref<200x128xi32, #tpu.memory_space<vmem>> -> memref<1x128xi32, #tpu.memory_space<vmem>>
    %dma_start3A_13 = tpu.memref_squeeze %dma_start3A_12 : memref<1x128xi32, #tpu.memory_space<vmem>> -> memref<128xi32, #tpu.memory_space<vmem>>
    %dma_start3A_14 = arith.constant 0 : i32
    %dma_start3A_15 = arith.constant 0 : i32
    %dma_start3A_16 = tpu.memref_slice %arg2[%dma_start3A_14, %dma_start3A_15] : memref<1000000x64xf32, #tpu.memory_space<hbm>> -> memref<1000000x64xf32, #tpu.memory_space<hbm>>
    %dma_start3A_17 = tpu.memref_slice %arg7[%dma_start3A_6] : memref<10x!tpu.dma_semaphore, #tpu.memory_space<semaphore_mem>> -> memref<1x!tpu.dma_semaphore, #tpu.memory_space<semaphore_mem>>
    %dma_start3A_18 = tpu.memref_squeeze %dma_start3A_17 : memref<1x!tpu.dma_semaphore, #tpu.memory_space<semaphore_mem>> -> memref<!tpu.dma_semaphore, #tpu.memory_space<semaphore_mem>>
    tpu.enqueue_indirect_dma source(%dma_start3A_16 : memref<1000000x64xf32, #tpu.memory_space<hbm>>) target(%dma_start3A_10 : memref<128x64xf32, #tpu.memory_space<vmem>>) offsets(%dma_start3A_13 : memref<128xi32, #tpu.memory_space<vmem>>) semaphore(%dma_start3A_18 : memref<!tpu.dma_semaphore, #tpu.memory_space<semaphore_mem>>)
    %dma_start3A_19 = arith.constant 1 : i32
    %dma_start3A_20 = arith.constant 1 : i32
    %dma_start3A_21 = arith.constant 1 : i32
    %dma_start3A_22 = arith.constant 0 : i32
    %dma_start3A_23 = arith.constant 0 : i32
    %dma_start3A_24 = tpu.memref_slice %arg6[%dma_start3A_20, %dma_start3A_22, %dma_start3A_23] : memref<10x128x64xf32, #tpu.memory_space<vmem>> -> memref<1x128x64xf32, #tpu.memory_space<vmem>>
    %dma_start3A_25 = tpu.memref_squeeze %dma_start3A_24 : memref<1x128x64xf32, #tpu.memory_space<vmem>> -> memref<128x64xf32, #tpu.memory_space<vmem>>
    %dma_start3A_26 = arith.constant 0 : i32
    %dma_start3A_27 = tpu.memref_slice %arg5[%dma_start3A_19, %dma_start3A_26] : memref<200x128xi32, #tpu.memory_space<vmem>> -> memref<1x128xi32, #tpu.memory_space<vmem>>
    %dma_start3A_28 = tpu.memref_squeeze %dma_start3A_27 : memref<1x128xi32, #tpu.memory_space<vmem>> -> memref<128xi32, #tpu.memory_space<vmem>>
    %dma_start3A_29 = arith.constant 0 : i32
    %dma_start3A_30 = arith.constant 0 : i32
    %dma_start3A_31 = tpu.memref_slice %arg2[%dma_start3A_29, %dma_start3A_30] : memref<1000000x64xf32, #tpu.memory_space<hbm>> -> memref<1000000x64xf32, #tpu.memory_space<hbm>>
    %dma_start3A_32 = tpu.memref_slice %arg7[%dma_start3A_21] : memref<10x!tpu.dma_semaphore, #tpu.memory_space<semaphore_mem>> -> memref<1x!tpu.dma_semaphore, #tpu.memory_space<semaphore_mem>>
    %dma_start3A_33 = tpu.memref_squeeze %dma_start3A_32 : memref<1x!tpu.dma_semaphore, #tpu.memory_space<semaphore_mem>> -> memref<!tpu.dma_semaphore, #tpu.memory_space<semaphore_mem>>
    tpu.enqueue_indirect_dma source(%dma_start3A_31 : memref<1000000x64xf32, #tpu.memory_space<hbm>>) target(%dma_start3A_25 : memref<128x64xf32, #tpu.memory_space<vmem>>) offsets(%dma_start3A_28 : memref<128xi32, #tpu.memory_space<vmem>>) semaphore(%dma_start3A_33 : memref<!tpu.dma_semaphore, #tpu.memory_space<semaphore_mem>>)
    %dma_start3A_34 = arith.constant 2 : i32
    %dma_start3A_35 = arith.constant 2 : i32
    %dma_start3A_36 = arith.constant 2 : i32
    %dma_start3A_37 = arith.constant 0 : i32
    %dma_start3A_38 = arith.constant 0 : i32
    %dma_start3A_39 = tpu.memref_slice %arg6[%dma_start3A_35, %dma_start3A_37, %dma_start3A_38] : memref<10x128x64xf32, #tpu.memory_space<vmem>> -> memref<1x128x64xf32, #tpu.memory_space<vmem>>
    %dma_start3A_40 = tpu.memref_squeeze %dma_start3A_39 : memref<1x128x64xf32, #tpu.memory_space<vmem>> -> memref<128x64xf32, #tpu.memory_space<vmem>>
    %dma_start3A_41 = arith.constant 0 : i32
    %dma_start3A_42 = tpu.memref_slice %arg5[%dma_start3A_34, %dma_start3A_41] : memref<200x128xi32, #tpu.memory_space<vmem>> -> memref<1x128xi32, #tpu.memory_space<vmem>>
    %dma_start3A_43 = tpu.memref_squeeze %dma_start3A_42 : memref<1x128xi32, #tpu.memory_space<vmem>> -> memref<128xi32, #tpu.memory_space<vmem>>
    %dma_start3A_44 = arith.constant 0 : i32
    %dma_start3A_45 = arith.constant 0 : i32
    %dma_start3A_46 = tpu.memref_slice %arg2[%dma_start3A_44, %dma_start3A_45] : memref<1000000x64xf32, #tpu.memory_space<hbm>> -> memref<1000000x64xf32, #tpu.memory_space<hbm>>
    %dma_start3A_47 = tpu.memref_slice %arg7[%dma_start3A_36] : memref<10x!tpu.dma_semaphore, #tpu.memory_space<semaphore_mem>> -> memref<1x!tpu.dma_semaphore, #tpu.memory_space<semaphore_mem>>
    %dma_start3A_48 = tpu.memref_squeeze %dma_start3A_47 : memref<1x!tpu.dma_semaphore, #tpu.memory_space<semaphore_mem>> -> memref<!tpu.dma_semaphore, #tpu.memory_space<semaphore_mem>>
    tpu.enqueue_indirect_dma source(%dma_start3A_46 : memref<1000000x64xf32, #tpu.memory_space<hbm>>) target(%dma_start3A_40 : memref<128x64xf32, #tpu.memory_space<vmem>>) offsets(%dma_start3A_43 : memref<128xi32, #tpu.memory_space<vmem>>) semaphore(%dma_start3A_48 : memref<!tpu.dma_semaphore, #tpu.memory_space<semaphore_mem>>)
    %dma_start3A_49 = arith.constant 3 : i32
    %dma_start3A_50 = arith.constant 3 : i32
    %dma_start3A_51 = arith.constant 3 : i32
    %dma_start3A_52 = arith.constant 0 : i32
    %dma_start3A_53 = arith.constant 0 : i32
    %dma_start3A_54 = tpu.memref_slice %arg6[%dma_start3A_50, %dma_start3A_52, %dma_start3A_53] : memref<10x128x64xf32, #tpu.memory_space<vmem>> -> memref<1x128x64xf32, #tpu.memory_space<vmem>>
    %dma_start3A_55 = tpu.memref_squeeze %dma_start3A_54 : memref<1x128x64xf32, #tpu.memory_space<vmem>> -> memref<128x64xf32, #tpu.memory_space<vmem>>
    %dma_start3A_56 = arith.constant 0 : i32
    %dma_start3A_57 = tpu.memref_slice %arg5[%dma_start3A_49, %dma_start3A_56] : memref<200x128xi32, #tpu.memory_space<vmem>> -> memref<1x128xi32, #tpu.memory_space<vmem>>
    %dma_start3A_58 = tpu.memref_squeeze %dma_start3A_57 : memref<1x128xi32, #tpu.memory_space<vmem>> -> memref<128xi32, #tpu.memory_space<vmem>>
    %dma_start3A_59 = arith.constant 0 : i32
    %dma_start3A_60 = arith.constant 0 : i32
    %dma_start3A_61 = tpu.memref_slice %arg2[%dma_start3A_59, %dma_start3A_60] : memref<1000000x64xf32, #tpu.memory_space<hbm>> -> memref<1000000x64xf32, #tpu.memory_space<hbm>>
    %dma_start3A_62 = tpu.memref_slice %arg7[%dma_start3A_51] : memref<10x!tpu.dma_semaphore, #tpu.memory_space<semaphore_mem>> -> memref<1x!tpu.dma_semaphore, #tpu.memory_space<semaphore_mem>>
    %dma_start3A_63 = tpu.memref_squeeze %dma_start3A_62 : memref<1x!tpu.dma_semaphore, #tpu.memory_space<semaphore_mem>> -> memref<!tpu.dma_semaphore, #tpu.memory_space<semaphore_mem>>
    tpu.enqueue_indirect_dma source(%dma_start3A_61 : memref<1000000x64xf32, #tpu.memory_space<hbm>>) target(%dma_start3A_55 : memref<128x64xf32, #tpu.memory_space<vmem>>) offsets(%dma_start3A_58 : memref<128xi32, #tpu.memory_space<vmem>>) semaphore(%dma_start3A_63 : memref<!tpu.dma_semaphore, #tpu.memory_space<semaphore_mem>>)
    %dma_start3A_64 = arith.constant 4 : i32
    %dma_start3A_65 = arith.constant 4 : i32
    %dma_start3A_66 = arith.constant 4 : i32
    %dma_start3A_67 = arith.constant 0 : i32
    %dma_start3A_68 = arith.constant 0 : i32
    %dma_start3A_69 = tpu.memref_slice %arg6[%dma_start3A_65, %dma_start3A_67, %dma_start3A_68] : memref<10x128x64xf32, #tpu.memory_space<vmem>> -> memref<1x128x64xf32, #tpu.memory_space<vmem>>
    %dma_start3A_70 = tpu.memref_squeeze %dma_start3A_69 : memref<1x128x64xf32, #tpu.memory_space<vmem>> -> memref<128x64xf32, #tpu.memory_space<vmem>>
    %dma_start3A_71 = arith.constant 0 : i32
    %dma_start3A_72 = tpu.memref_slice %arg5[%dma_start3A_64, %dma_start3A_71] : memref<200x128xi32, #tpu.memory_space<vmem>> -> memref<1x128xi32, #tpu.memory_space<vmem>>
    %dma_start3A_73 = tpu.memref_squeeze %dma_start3A_72 : memref<1x128xi32, #tpu.memory_space<vmem>> -> memref<128xi32, #tpu.memory_space<vmem>>
    %dma_start3A_74 = arith.constant 0 : i32
    %dma_start3A_75 = arith.constant 0 : i32
    %dma_start3A_76 = tpu.memref_slice %arg2[%dma_start3A_74, %dma_start3A_75] : memref<1000000x64xf32, #tpu.memory_space<hbm>> -> memref<1000000x64xf32, #tpu.memory_space<hbm>>
    %dma_start3A_77 = tpu.memref_slice %arg7[%dma_start3A_66] : memref<10x!tpu.dma_semaphore, #tpu.memory_space<semaphore_mem>> -> memref<1x!tpu.dma_semaphore, #tpu.memory_space<semaphore_mem>>
    %dma_start3A_78 = tpu.memref_squeeze %dma_start3A_77 : memref<1x!tpu.dma_semaphore, #tpu.memory_space<semaphore_mem>> -> memref<!tpu.dma_semaphore, #tpu.memory_space<semaphore_mem>>
    tpu.enqueue_indirect_dma source(%dma_start3A_76 : memref<1000000x64xf32, #tpu.memory_space<hbm>>) target(%dma_start3A_70 : memref<128x64xf32, #tpu.memory_space<vmem>>) offsets(%dma_start3A_73 : memref<128xi32, #tpu.memory_space<vmem>>) semaphore(%dma_start3A_78 : memref<!tpu.dma_semaphore, #tpu.memory_space<semaphore_mem>>)
    %dma_start3A_79 = arith.constant 5 : i32
    %dma_start3A_80 = arith.constant 5 : i32
    %dma_start3A_81 = arith.constant 5 : i32
    %dma_start3A_82 = arith.constant 0 : i32
    %dma_start3A_83 = arith.constant 0 : i32
    %dma_start3A_84 = tpu.memref_slice %arg6[%dma_start3A_80, %dma_start3A_82, %dma_start3A_83] : memref<10x128x64xf32, #tpu.memory_space<vmem>> -> memref<1x128x64xf32, #tpu.memory_space<vmem>>
    %dma_start3A_85 = tpu.memref_squeeze %dma_start3A_84 : memref<1x128x64xf32, #tpu.memory_space<vmem>> -> memref<128x64xf32, #tpu.memory_space<vmem>>
    %dma_start3A_86 = arith.constant 0 : i32
    %dma_start3A_87 = tpu.memref_slice %arg5[%dma_start3A_79, %dma_start3A_86] : memref<200x128xi32, #tpu.memory_space<vmem>> -> memref<1x128xi32, #tpu.memory_space<vmem>>
    %dma_start3A_88 = tpu.memref_squeeze %dma_start3A_87 : memref<1x128xi32, #tpu.memory_space<vmem>> -> memref<128xi32, #tpu.memory_space<vmem>>
    %dma_start3A_89 = arith.constant 0 : i32
    %dma_start3A_90 = arith.constant 0 : i32
    %dma_start3A_91 = tpu.memref_slice %arg2[%dma_start3A_89, %dma_start3A_90] : memref<1000000x64xf32, #tpu.memory_space<hbm>> -> memref<1000000x64xf32, #tpu.memory_space<hbm>>
    %dma_start3A_92 = tpu.memref_slice %arg7[%dma_start3A_81] : memref<10x!tpu.dma_semaphore, #tpu.memory_space<semaphore_mem>> -> memref<1x!tpu.dma_semaphore, #tpu.memory_space<semaphore_mem>>
    %dma_start3A_93 = tpu.memref_squeeze %dma_start3A_92 : memref<1x!tpu.dma_semaphore, #tpu.memory_space<semaphore_mem>> -> memref<!tpu.dma_semaphore, #tpu.memory_space<semaphore_mem>>
    tpu.enqueue_indirect_dma source(%dma_start3A_91 : memref<1000000x64xf32, #tpu.memory_space<hbm>>) target(%dma_start3A_85 : memref<128x64xf32, #tpu.memory_space<vmem>>) offsets(%dma_start3A_88 : memref<128xi32, #tpu.memory_space<vmem>>) semaphore(%dma_start3A_93 : memref<!tpu.dma_semaphore, #tpu.memory_space<semaphore_mem>>)
    %dma_start3A_94 = arith.constant 6 : i32
    %dma_start3A_95 = arith.constant 6 : i32
    %dma_start3A_96 = arith.constant 6 : i32
    %dma_start3A_97 = arith.constant 0 : i32
    %dma_start3A_98 = arith.constant 0 : i32
    %dma_start3A_99 = tpu.memref_slice %arg6[%dma_start3A_95, %dma_start3A_97, %dma_start3A_98] : memref<10x128x64xf32, #tpu.memory_space<vmem>> -> memref<1x128x64xf32, #tpu.memory_space<vmem>>
    %dma_start3A_100 = tpu.memref_squeeze %dma_start3A_99 : memref<1x128x64xf32, #tpu.memory_space<vmem>> -> memref<128x64xf32, #tpu.memory_space<vmem>>
    %dma_start3A_101 = arith.constant 0 : i32
    %dma_start3A_102 = tpu.memref_slice %arg5[%dma_start3A_94, %dma_start3A_101] : memref<200x128xi32, #tpu.memory_space<vmem>> -> memref<1x128xi32, #tpu.memory_space<vmem>>
    %dma_start3A_103 = tpu.memref_squeeze %dma_start3A_102 : memref<1x128xi32, #tpu.memory_space<vmem>> -> memref<128xi32, #tpu.memory_space<vmem>>
    %dma_start3A_104 = arith.constant 0 : i32
    %dma_start3A_105 = arith.constant 0 : i32
    %dma_start3A_106 = tpu.memref_slice %arg2[%dma_start3A_104, %dma_start3A_105] : memref<1000000x64xf32, #tpu.memory_space<hbm>> -> memref<1000000x64xf32, #tpu.memory_space<hbm>>
    %dma_start3A_107 = tpu.memref_slice %arg7[%dma_start3A_96] : memref<10x!tpu.dma_semaphore, #tpu.memory_space<semaphore_mem>> -> memref<1x!tpu.dma_semaphore, #tpu.memory_space<semaphore_mem>>
    %dma_start3A_108 = tpu.memref_squeeze %dma_start3A_107 : memref<1x!tpu.dma_semaphore, #tpu.memory_space<semaphore_mem>> -> memref<!tpu.dma_semaphore, #tpu.memory_space<semaphore_mem>>
    tpu.enqueue_indirect_dma source(%dma_start3A_106 : memref<1000000x64xf32, #tpu.memory_space<hbm>>) target(%dma_start3A_100 : memref<128x64xf32, #tpu.memory_space<vmem>>) offsets(%dma_start3A_103 : memref<128xi32, #tpu.memory_space<vmem>>) semaphore(%dma_start3A_108 : memref<!tpu.dma_semaphore, #tpu.memory_space<semaphore_mem>>)
    %dma_start3A_109 = arith.constant 7 : i32
    %dma_start3A_110 = arith.constant 7 : i32
    %dma_start3A_111 = arith.constant 7 : i32
    %dma_start3A_112 = arith.constant 0 : i32
    %dma_start3A_113 = arith.constant 0 : i32
    %dma_start3A_114 = tpu.memref_slice %arg6[%dma_start3A_110, %dma_start3A_112, %dma_start3A_113] : memref<10x128x64xf32, #tpu.memory_space<vmem>> -> memref<1x128x64xf32, #tpu.memory_space<vmem>>
    %dma_start3A_115 = tpu.memref_squeeze %dma_start3A_114 : memref<1x128x64xf32, #tpu.memory_space<vmem>> -> memref<128x64xf32, #tpu.memory_space<vmem>>
    %dma_start3A_116 = arith.constant 0 : i32
    %dma_start3A_117 = tpu.memref_slice %arg5[%dma_start3A_109, %dma_start3A_116] : memref<200x128xi32, #tpu.memory_space<vmem>> -> memref<1x128xi32, #tpu.memory_space<vmem>>
    %dma_start3A_118 = tpu.memref_squeeze %dma_start3A_117 : memref<1x128xi32, #tpu.memory_space<vmem>> -> memref<128xi32, #tpu.memory_space<vmem>>
    %dma_start3A_119 = arith.constant 0 : i32
    %dma_start3A_120 = arith.constant 0 : i32
    %dma_start3A_121 = tpu.memref_slice %arg2[%dma_start3A_119, %dma_start3A_120] : memref<1000000x64xf32, #tpu.memory_space<hbm>> -> memref<1000000x64xf32, #tpu.memory_space<hbm>>
    %dma_start3A_122 = tpu.memref_slice %arg7[%dma_start3A_111] : memref<10x!tpu.dma_semaphore, #tpu.memory_space<semaphore_mem>> -> memref<1x!tpu.dma_semaphore, #tpu.memory_space<semaphore_mem>>
    %dma_start3A_123 = tpu.memref_squeeze %dma_start3A_122 : memref<1x!tpu.dma_semaphore, #tpu.memory_space<semaphore_mem>> -> memref<!tpu.dma_semaphore, #tpu.memory_space<semaphore_mem>>
    tpu.enqueue_indirect_dma source(%dma_start3A_121 : memref<1000000x64xf32, #tpu.memory_space<hbm>>) target(%dma_start3A_115 : memref<128x64xf32, #tpu.memory_space<vmem>>) offsets(%dma_start3A_118 : memref<128xi32, #tpu.memory_space<vmem>>) semaphore(%dma_start3A_123 : memref<!tpu.dma_semaphore, #tpu.memory_space<semaphore_mem>>)
    %dma_start3A_124 = arith.constant 8 : i32
    %dma_start3A_125 = arith.constant 8 : i32
    %dma_start3A_126 = arith.constant 8 : i32
    %dma_start3A_127 = arith.constant 0 : i32
    %dma_start3A_128 = arith.constant 0 : i32
    %dma_start3A_129 = tpu.memref_slice %arg6[%dma_start3A_125, %dma_start3A_127, %dma_start3A_128] : memref<10x128x64xf32, #tpu.memory_space<vmem>> -> memref<1x128x64xf32, #tpu.memory_space<vmem>>
    %dma_start3A_130 = tpu.memref_squeeze %dma_start3A_129 : memref<1x128x64xf32, #tpu.memory_space<vmem>> -> memref<128x64xf32, #tpu.memory_space<vmem>>
    %dma_start3A_131 = arith.constant 0 : i32
    %dma_start3A_132 = tpu.memref_slice %arg5[%dma_start3A_124, %dma_start3A_131] : memref<200x128xi32, #tpu.memory_space<vmem>> -> memref<1x128xi32, #tpu.memory_space<vmem>>
    %dma_start3A_133 = tpu.memref_squeeze %dma_start3A_132 : memref<1x128xi32, #tpu.memory_space<vmem>> -> memref<128xi32, #tpu.memory_space<vmem>>
    %dma_start3A_134 = arith.constant 0 : i32
    %dma_start3A_135 = arith.constant 0 : i32
    %dma_start3A_136 = tpu.memref_slice %arg2[%dma_start3A_134, %dma_start3A_135] : memref<1000000x64xf32, #tpu.memory_space<hbm>> -> memref<1000000x64xf32, #tpu.memory_space<hbm>>
    %dma_start3A_137 = tpu.memref_slice %arg7[%dma_start3A_126] : memref<10x!tpu.dma_semaphore, #tpu.memory_space<semaphore_mem>> -> memref<1x!tpu.dma_semaphore, #tpu.memory_space<semaphore_mem>>
    %dma_start3A_138 = tpu.memref_squeeze %dma_start3A_137 : memref<1x!tpu.dma_semaphore, #tpu.memory_space<semaphore_mem>> -> memref<!tpu.dma_semaphore, #tpu.memory_space<semaphore_mem>>
    tpu.enqueue_indirect_dma source(%dma_start3A_136 : memref<1000000x64xf32, #tpu.memory_space<hbm>>) target(%dma_start3A_130 : memref<128x64xf32, #tpu.memory_space<vmem>>) offsets(%dma_start3A_133 : memref<128xi32, #tpu.memory_space<vmem>>) semaphore(%dma_start3A_138 : memref<!tpu.dma_semaphore, #tpu.memory_space<semaphore_mem>>)
    %scan3A = arith.constant 0 : i32
    %scan3A_139 = arith.constant 0 : i32
    %scan3A_140 = arith.constant 20 : i32
    %scan3A_141 = arith.addi %scan3A_139, %scan3A_140 : i32
    %scan3A_142 = arith.constant 1 : i32
    scf.for %scan3A_323 = %scan3A_139 to %scan3A_141 step %scan3A_142  : i32 {
      %mul3A_324 = arith.constant 10 : i32
      %mul3A_325 = arith.muli %scan3A_323, %mul3A_324 : i32
      %add3A_326 = arith.constant 0 : i32
      %add3A_327 = arith.addi %mul3A_325, %add3A_326 : i32
      %add3A_328 = arith.constant 9 : i32
      %add3A_329 = arith.addi %add3A_327, %add3A_328 : i32
      %lt3A = arith.constant 200 : i32
      %lt3A_330 = arith.cmpi slt, %add3A_329, %lt3A : i32
      %convert_element_type3A = arith.extui %lt3A_330 : i1 to i32
      %cond3A = arith.constant 0 : i32
      %cond3A_331 = arith.cmpi ne, %convert_element_type3A, %cond3A : i32
      scf.if %cond3A_331 {
        %gt3A = arith.constant 0 : i32
        %gt3A_801 = arith.cmpi sgt, %add3A_327, %gt3A : i32
        %convert_element_type3A_802 = arith.extui %gt3A_801 : i1 to i32
        %cond3A_803 = arith.constant 0 : i32
        %cond3A_804 = arith.cmpi ne, %convert_element_type3A_802, %cond3A_803 : i32
        scf.if %cond3A_804 {
          %dma_wait3A_821 = arith.constant 9 : i32
          %dma_wait3A_822 = arith.constant 9 : i32
          %dma_wait3A_823 = arith.constant 0 : i32
          %dma_wait3A_824 = arith.constant 0 : i32
          %dma_wait3A_825 = tpu.memref_slice %arg6[%dma_wait3A_821, %dma_wait3A_823, %dma_wait3A_824] : memref<10x128x64xf32, #tpu.memory_space<vmem>> -> memref<1x128x64xf32, #tpu.memory_space<vmem>>
          %dma_wait3A_826 = tpu.memref_squeeze %dma_wait3A_825 : memref<1x128x64xf32, #tpu.memory_space<vmem>> -> memref<128x64xf32, #tpu.memory_space<vmem>>
          %dma_wait3A_827 = arith.constant 0 : i32
          %dma_wait3A_828 = arith.constant 0 : i32
          %dma_wait3A_829 = tpu.memref_slice %arg4[%dma_wait3A_827, %dma_wait3A_828] : memref<819200x64xf32, #tpu.memory_space<hbm>> -> memref<128x64xf32, #tpu.memory_space<hbm>>
          %dma_wait3A_830 = tpu.memref_slice %arg8[%dma_wait3A_822] : memref<10x!tpu.dma_semaphore, #tpu.memory_space<semaphore_mem>> -> memref<1x!tpu.dma_semaphore, #tpu.memory_space<semaphore_mem>>
          %dma_wait3A_831 = tpu.memref_squeeze %dma_wait3A_830 : memref<1x!tpu.dma_semaphore, #tpu.memory_space<semaphore_mem>> -> memref<!tpu.dma_semaphore, #tpu.memory_space<semaphore_mem>>
          %dma_wait3A_832 = arith.constant 0 : i32
          %dma_wait3A_833 = arith.constant 0 : i32
          %dma_wait3A_834 = tpu.memref_slice %arg4[%dma_wait3A_832, %dma_wait3A_833] : memref<819200x64xf32, #tpu.memory_space<hbm>> -> memref<128x64xf32, #tpu.memory_space<hbm>>
          %dma_wait3A_835 = arith.constant 0 : i32
          %dma_wait3A_836 = arith.constant 0 : i32
          %dma_wait3A_837 = tpu.memref_slice %arg6[%dma_wait3A_821, %dma_wait3A_835, %dma_wait3A_836] : memref<10x128x64xf32, #tpu.memory_space<vmem>> -> memref<1x128x64xf32, #tpu.memory_space<vmem>>
          %dma_wait3A_838 = tpu.memref_squeeze %dma_wait3A_837 : memref<1x128x64xf32, #tpu.memory_space<vmem>> -> memref<128x64xf32, #tpu.memory_space<vmem>>
          tpu.wait_dma2 semaphore(%dma_wait3A_831 : memref<!tpu.dma_semaphore, #tpu.memory_space<semaphore_mem>>) src(%dma_wait3A_838 : memref<128x64xf32, #tpu.memory_space<vmem>>) dst(%dma_wait3A_834 : memref<128x64xf32, #tpu.memory_space<hbm>>)
        } else {
        }
        %add3A_805 = arith.constant 9 : i32
        %add3A_806 = arith.addi %add3A_327, %add3A_805 : i32
        %dma_start3A_807 = arith.constant 9 : i32
        %dma_start3A_808 = arith.constant 9 : i32
        %dma_start3A_809 = arith.constant 0 : i32
        %dma_start3A_810 = arith.constant 0 : i32
        %dma_start3A_811 = tpu.memref_slice %arg6[%dma_start3A_807, %dma_start3A_809, %dma_start3A_810] : memref<10x128x64xf32, #tpu.memory_space<vmem>> -> memref<1x128x64xf32, #tpu.memory_space<vmem>>
        %dma_start3A_812 = tpu.memref_squeeze %dma_start3A_811 : memref<1x128x64xf32, #tpu.memory_space<vmem>> -> memref<128x64xf32, #tpu.memory_space<vmem>>
        %dma_start3A_813 = arith.constant 0 : i32
        %dma_start3A_814 = tpu.memref_slice %arg5[%add3A_806, %dma_start3A_813] : memref<200x128xi32, #tpu.memory_space<vmem>> -> memref<1x128xi32, #tpu.memory_space<vmem>>
        %dma_start3A_815 = tpu.memref_squeeze %dma_start3A_814 : memref<1x128xi32, #tpu.memory_space<vmem>> -> memref<128xi32, #tpu.memory_space<vmem>>
        %dma_start3A_816 = arith.constant 0 : i32
        %dma_start3A_817 = arith.constant 0 : i32
        %dma_start3A_818 = tpu.memref_slice %arg2[%dma_start3A_816, %dma_start3A_817] : memref<1000000x64xf32, #tpu.memory_space<hbm>> -> memref<1000000x64xf32, #tpu.memory_space<hbm>>
        %dma_start3A_819 = tpu.memref_slice %arg7[%dma_start3A_808] : memref<10x!tpu.dma_semaphore, #tpu.memory_space<semaphore_mem>> -> memref<1x!tpu.dma_semaphore, #tpu.memory_space<semaphore_mem>>
        %dma_start3A_820 = tpu.memref_squeeze %dma_start3A_819 : memref<1x!tpu.dma_semaphore, #tpu.memory_space<semaphore_mem>> -> memref<!tpu.dma_semaphore, #tpu.memory_space<semaphore_mem>>
        tpu.enqueue_indirect_dma source(%dma_start3A_818 : memref<1000000x64xf32, #tpu.memory_space<hbm>>) target(%dma_start3A_812 : memref<128x64xf32, #tpu.memory_space<vmem>>) offsets(%dma_start3A_815 : memref<128xi32, #tpu.memory_space<vmem>>) semaphore(%dma_start3A_820 : memref<!tpu.dma_semaphore, #tpu.memory_space<semaphore_mem>>)
      } else {
      }
      %dma_wait3A_332 = arith.constant 0 : i32
      %dma_wait3A_333 = arith.constant 0 : i32
      %dma_wait3A_334 = arith.constant 0 : i32
      %dma_wait3A_335 = arith.constant 0 : i32
      %dma_wait3A_336 = tpu.memref_slice %arg6[%dma_wait3A_332, %dma_wait3A_334, %dma_wait3A_335] : memref<10x128x64xf32, #tpu.memory_space<vmem>> -> memref<1x128x64xf32, #tpu.memory_space<vmem>>
      %dma_wait3A_337 = tpu.memref_squeeze %dma_wait3A_336 : memref<1x128x64xf32, #tpu.memory_space<vmem>> -> memref<128x64xf32, #tpu.memory_space<vmem>>
      %dma_wait3A_338 = arith.constant 0 : i32
      %dma_wait3A_339 = arith.constant 0 : i32
      %dma_wait3A_340 = tpu.memref_slice %arg4[%dma_wait3A_338, %dma_wait3A_339] : memref<819200x64xf32, #tpu.memory_space<hbm>> -> memref<128x64xf32, #tpu.memory_space<hbm>>
      %dma_wait3A_341 = tpu.memref_slice %arg7[%dma_wait3A_333] : memref<10x!tpu.dma_semaphore, #tpu.memory_space<semaphore_mem>> -> memref<1x!tpu.dma_semaphore, #tpu.memory_space<semaphore_mem>>
      %dma_wait3A_342 = tpu.memref_squeeze %dma_wait3A_341 : memref<1x!tpu.dma_semaphore, #tpu.memory_space<semaphore_mem>> -> memref<!tpu.dma_semaphore, #tpu.memory_space<semaphore_mem>>
      %dma_wait3A_343 = arith.constant 0 : i32
      %dma_wait3A_344 = arith.constant 0 : i32
      %dma_wait3A_345 = tpu.memref_slice %arg6[%dma_wait3A_332, %dma_wait3A_343, %dma_wait3A_344] : memref<10x128x64xf32, #tpu.memory_space<vmem>> -> memref<1x128x64xf32, #tpu.memory_space<vmem>>
      %dma_wait3A_346 = tpu.memref_squeeze %dma_wait3A_345 : memref<1x128x64xf32, #tpu.memory_space<vmem>> -> memref<128x64xf32, #tpu.memory_space<vmem>>
      %dma_wait3A_347 = arith.constant 0 : i32
      %dma_wait3A_348 = arith.constant 0 : i32
      %dma_wait3A_349 = tpu.memref_slice %arg4[%dma_wait3A_347, %dma_wait3A_348] : memref<819200x64xf32, #tpu.memory_space<hbm>> -> memref<128x64xf32, #tpu.memory_space<hbm>>
      tpu.wait_dma2 semaphore(%dma_wait3A_342 : memref<!tpu.dma_semaphore, #tpu.memory_space<semaphore_mem>>) src(%dma_wait3A_349 : memref<128x64xf32, #tpu.memory_space<hbm>>) dst(%dma_wait3A_346 : memref<128x64xf32, #tpu.memory_space<vmem>>)
      %mul3A_350 = arith.constant 128 : i32
      %mul3A_351 = arith.muli %add3A_327, %mul3A_350 : i32
      %add3A_352 = arith.addi %mul3A_2, %mul3A_351 : i32
      %dma_start3A_353 = arith.constant 0 : i32
      %dma_start3A_354 = arith.constant 0 : i32
      %dma_start3A_355 = arith.constant 0 : i32
      %dma_start3A_356 = arith.constant 0 : i32
      %dma_start3A_357 = tpu.memref_slice %arg6[%dma_start3A_353, %dma_start3A_355, %dma_start3A_356] : memref<10x128x64xf32, #tpu.memory_space<vmem>> -> memref<1x128x64xf32, #tpu.memory_space<vmem>>
      %dma_start3A_358 = tpu.memref_squeeze %dma_start3A_357 : memref<1x128x64xf32, #tpu.memory_space<vmem>> -> memref<128x64xf32, #tpu.memory_space<vmem>>
      %dma_start3A_359 = arith.constant 0 : i32
      %dma_start3A_360 = tpu.memref_slice %arg4[%add3A_352, %dma_start3A_359] : memref<819200x64xf32, #tpu.memory_space<hbm>> -> memref<128x64xf32, #tpu.memory_space<hbm>>
      %dma_start3A_361 = tpu.memref_slice %arg8[%dma_start3A_354] : memref<10x!tpu.dma_semaphore, #tpu.memory_space<semaphore_mem>> -> memref<1x!tpu.dma_semaphore, #tpu.memory_space<semaphore_mem>>
      %dma_start3A_362 = tpu.memref_squeeze %dma_start3A_361 : memref<1x!tpu.dma_semaphore, #tpu.memory_space<semaphore_mem>> -> memref<!tpu.dma_semaphore, #tpu.memory_space<semaphore_mem>>
      %dma_start3A_363 = arith.constant 0 : i32
      %dma_start3A_364 = tpu.memref_slice %arg4[%add3A_352, %dma_start3A_363] : memref<819200x64xf32, #tpu.memory_space<hbm>> -> memref<128x64xf32, #tpu.memory_space<hbm>>
      %dma_start3A_365 = arith.constant 0 : i32
      %dma_start3A_366 = arith.constant 0 : i32
      %dma_start3A_367 = tpu.memref_slice %arg6[%dma_start3A_353, %dma_start3A_365, %dma_start3A_366] : memref<10x128x64xf32, #tpu.memory_space<vmem>> -> memref<1x128x64xf32, #tpu.memory_space<vmem>>
      %dma_start3A_368 = tpu.memref_squeeze %dma_start3A_367 : memref<1x128x64xf32, #tpu.memory_space<vmem>> -> memref<128x64xf32, #tpu.memory_space<vmem>>
      tpu.enqueue_dma source(%dma_start3A_368 : memref<128x64xf32, #tpu.memory_space<vmem>>) target(%dma_start3A_364 : memref<128x64xf32, #tpu.memory_space<hbm>>) target_semaphore(%dma_start3A_362 : memref<!tpu.dma_semaphore, #tpu.memory_space<semaphore_mem>>)
      %mul3A_369 = arith.constant 10 : i32
      %mul3A_370 = arith.muli %scan3A_323, %mul3A_369 : i32
      %add3A_371 = arith.constant 1 : i32
      %add3A_372 = arith.addi %mul3A_370, %add3A_371 : i32
      %add3A_373 = arith.constant 9 : i32
      %add3A_374 = arith.addi %add3A_372, %add3A_373 : i32
      %lt3A_375 = arith.constant 200 : i32
      %lt3A_376 = arith.cmpi slt, %add3A_374, %lt3A_375 : i32
      %convert_element_type3A_377 = arith.extui %lt3A_376 : i1 to i32
      %cond3A_378 = arith.constant 0 : i32
      %cond3A_379 = arith.cmpi ne, %convert_element_type3A_377, %cond3A_378 : i32
      scf.if %cond3A_379 {
        %gt3A = arith.constant 0 : i32
        %gt3A_801 = arith.cmpi sgt, %add3A_372, %gt3A : i32
        %convert_element_type3A_802 = arith.extui %gt3A_801 : i1 to i32
        %cond3A_803 = arith.constant 0 : i32
        %cond3A_804 = arith.cmpi ne, %convert_element_type3A_802, %cond3A_803 : i32
        scf.if %cond3A_804 {
          %dma_wait3A_821 = arith.constant 0 : i32
          %dma_wait3A_822 = arith.constant 0 : i32
          %dma_wait3A_823 = arith.constant 0 : i32
          %dma_wait3A_824 = arith.constant 0 : i32
          %dma_wait3A_825 = tpu.memref_slice %arg6[%dma_wait3A_821, %dma_wait3A_823, %dma_wait3A_824] : memref<10x128x64xf32, #tpu.memory_space<vmem>> -> memref<1x128x64xf32, #tpu.memory_space<vmem>>
          %dma_wait3A_826 = tpu.memref_squeeze %dma_wait3A_825 : memref<1x128x64xf32, #tpu.memory_space<vmem>> -> memref<128x64xf32, #tpu.memory_space<vmem>>
          %dma_wait3A_827 = arith.constant 0 : i32
          %dma_wait3A_828 = arith.constant 0 : i32
          %dma_wait3A_829 = tpu.memref_slice %arg4[%dma_wait3A_827, %dma_wait3A_828] : memref<819200x64xf32, #tpu.memory_space<hbm>> -> memref<128x64xf32, #tpu.memory_space<hbm>>
          %dma_wait3A_830 = tpu.memref_slice %arg8[%dma_wait3A_822] : memref<10x!tpu.dma_semaphore, #tpu.memory_space<semaphore_mem>> -> memref<1x!tpu.dma_semaphore, #tpu.memory_space<semaphore_mem>>
          %dma_wait3A_831 = tpu.memref_squeeze %dma_wait3A_830 : memref<1x!tpu.dma_semaphore, #tpu.memory_space<semaphore_mem>> -> memref<!tpu.dma_semaphore, #tpu.memory_space<semaphore_mem>>
          %dma_wait3A_832 = arith.constant 0 : i32
          %dma_wait3A_833 = arith.constant 0 : i32
          %dma_wait3A_834 = tpu.memref_slice %arg4[%dma_wait3A_832, %dma_wait3A_833] : memref<819200x64xf32, #tpu.memory_space<hbm>> -> memref<128x64xf32, #tpu.memory_space<hbm>>
          %dma_wait3A_835 = arith.constant 0 : i32
          %dma_wait3A_836 = arith.constant 0 : i32
          %dma_wait3A_837 = tpu.memref_slice %arg6[%dma_wait3A_821, %dma_wait3A_835, %dma_wait3A_836] : memref<10x128x64xf32, #tpu.memory_space<vmem>> -> memref<1x128x64xf32, #tpu.memory_space<vmem>>
          %dma_wait3A_838 = tpu.memref_squeeze %dma_wait3A_837 : memref<1x128x64xf32, #tpu.memory_space<vmem>> -> memref<128x64xf32, #tpu.memory_space<vmem>>
          tpu.wait_dma2 semaphore(%dma_wait3A_831 : memref<!tpu.dma_semaphore, #tpu.memory_space<semaphore_mem>>) src(%dma_wait3A_838 : memref<128x64xf32, #tpu.memory_space<vmem>>) dst(%dma_wait3A_834 : memref<128x64xf32, #tpu.memory_space<hbm>>)
        } else {
        }
        %add3A_805 = arith.constant 9 : i32
        %add3A_806 = arith.addi %add3A_372, %add3A_805 : i32
        %dma_start3A_807 = arith.constant 0 : i32
        %dma_start3A_808 = arith.constant 0 : i32
        %dma_start3A_809 = arith.constant 0 : i32
        %dma_start3A_810 = arith.constant 0 : i32
        %dma_start3A_811 = tpu.memref_slice %arg6[%dma_start3A_807, %dma_start3A_809, %dma_start3A_810] : memref<10x128x64xf32, #tpu.memory_space<vmem>> -> memref<1x128x64xf32, #tpu.memory_space<vmem>>
        %dma_start3A_812 = tpu.memref_squeeze %dma_start3A_811 : memref<1x128x64xf32, #tpu.memory_space<vmem>> -> memref<128x64xf32, #tpu.memory_space<vmem>>
        %dma_start3A_813 = arith.constant 0 : i32
        %dma_start3A_814 = tpu.memref_slice %arg5[%add3A_806, %dma_start3A_813] : memref<200x128xi32, #tpu.memory_space<vmem>> -> memref<1x128xi32, #tpu.memory_space<vmem>>
        %dma_start3A_815 = tpu.memref_squeeze %dma_start3A_814 : memref<1x128xi32, #tpu.memory_space<vmem>> -> memref<128xi32, #tpu.memory_space<vmem>>
        %dma_start3A_816 = arith.constant 0 : i32
        %dma_start3A_817 = arith.constant 0 : i32
        %dma_start3A_818 = tpu.memref_slice %arg2[%dma_start3A_816, %dma_start3A_817] : memref<1000000x64xf32, #tpu.memory_space<hbm>> -> memref<1000000x64xf32, #tpu.memory_space<hbm>>
        %dma_start3A_819 = tpu.memref_slice %arg7[%dma_start3A_808] : memref<10x!tpu.dma_semaphore, #tpu.memory_space<semaphore_mem>> -> memref<1x!tpu.dma_semaphore, #tpu.memory_space<semaphore_mem>>
        %dma_start3A_820 = tpu.memref_squeeze %dma_start3A_819 : memref<1x!tpu.dma_semaphore, #tpu.memory_space<semaphore_mem>> -> memref<!tpu.dma_semaphore, #tpu.memory_space<semaphore_mem>>
        tpu.enqueue_indirect_dma source(%dma_start3A_818 : memref<1000000x64xf32, #tpu.memory_space<hbm>>) target(%dma_start3A_812 : memref<128x64xf32, #tpu.memory_space<vmem>>) offsets(%dma_start3A_815 : memref<128xi32, #tpu.memory_space<vmem>>) semaphore(%dma_start3A_820 : memref<!tpu.dma_semaphore, #tpu.memory_space<semaphore_mem>>)
      } else {
      }
      %dma_wait3A_380 = arith.constant 1 : i32
      %dma_wait3A_381 = arith.constant 1 : i32
      %dma_wait3A_382 = arith.constant 0 : i32
      %dma_wait3A_383 = arith.constant 0 : i32
      %dma_wait3A_384 = tpu.memref_slice %arg6[%dma_wait3A_380, %dma_wait3A_382, %dma_wait3A_383] : memref<10x128x64xf32, #tpu.memory_space<vmem>> -> memref<1x128x64xf32, #tpu.memory_space<vmem>>
      %dma_wait3A_385 = tpu.memref_squeeze %dma_wait3A_384 : memref<1x128x64xf32, #tpu.memory_space<vmem>> -> memref<128x64xf32, #tpu.memory_space<vmem>>
      %dma_wait3A_386 = arith.constant 0 : i32
      %dma_wait3A_387 = arith.constant 0 : i32
      %dma_wait3A_388 = tpu.memref_slice %arg4[%dma_wait3A_386, %dma_wait3A_387] : memref<819200x64xf32, #tpu.memory_space<hbm>> -> memref<128x64xf32, #tpu.memory_space<hbm>>
      %dma_wait3A_389 = tpu.memref_slice %arg7[%dma_wait3A_381] : memref<10x!tpu.dma_semaphore, #tpu.memory_space<semaphore_mem>> -> memref<1x!tpu.dma_semaphore, #tpu.memory_space<semaphore_mem>>
      %dma_wait3A_390 = tpu.memref_squeeze %dma_wait3A_389 : memref<1x!tpu.dma_semaphore, #tpu.memory_space<semaphore_mem>> -> memref<!tpu.dma_semaphore, #tpu.memory_space<semaphore_mem>>
      %dma_wait3A_391 = arith.constant 0 : i32
      %dma_wait3A_392 = arith.constant 0 : i32
      %dma_wait3A_393 = tpu.memref_slice %arg6[%dma_wait3A_380, %dma_wait3A_391, %dma_wait3A_392] : memref<10x128x64xf32, #tpu.memory_space<vmem>> -> memref<1x128x64xf32, #tpu.memory_space<vmem>>
      %dma_wait3A_394 = tpu.memref_squeeze %dma_wait3A_393 : memref<1x128x64xf32, #tpu.memory_space<vmem>> -> memref<128x64xf32, #tpu.memory_space<vmem>>
      %dma_wait3A_395 = arith.constant 0 : i32
      %dma_wait3A_396 = arith.constant 0 : i32
      %dma_wait3A_397 = tpu.memref_slice %arg4[%dma_wait3A_395, %dma_wait3A_396] : memref<819200x64xf32, #tpu.memory_space<hbm>> -> memref<128x64xf32, #tpu.memory_space<hbm>>
      tpu.wait_dma2 semaphore(%dma_wait3A_390 : memref<!tpu.dma_semaphore, #tpu.memory_space<semaphore_mem>>) src(%dma_wait3A_397 : memref<128x64xf32, #tpu.memory_space<hbm>>) dst(%dma_wait3A_394 : memref<128x64xf32, #tpu.memory_space<vmem>>)
      %mul3A_398 = arith.constant 128 : i32
      %mul3A_399 = arith.muli %add3A_372, %mul3A_398 : i32
      %add3A_400 = arith.addi %mul3A_2, %mul3A_399 : i32
      %dma_start3A_401 = arith.constant 1 : i32
      %dma_start3A_402 = arith.constant 1 : i32
      %dma_start3A_403 = arith.constant 0 : i32
      %dma_start3A_404 = arith.constant 0 : i32
      %dma_start3A_405 = tpu.memref_slice %arg6[%dma_start3A_401, %dma_start3A_403, %dma_start3A_404] : memref<10x128x64xf32, #tpu.memory_space<vmem>> -> memref<1x128x64xf32, #tpu.memory_space<vmem>>
      %dma_start3A_406 = tpu.memref_squeeze %dma_start3A_405 : memref<1x128x64xf32, #tpu.memory_space<vmem>> -> memref<128x64xf32, #tpu.memory_space<vmem>>
      %dma_start3A_407 = arith.constant 0 : i32
      %dma_start3A_408 = tpu.memref_slice %arg4[%add3A_400, %dma_start3A_407] : memref<819200x64xf32, #tpu.memory_space<hbm>> -> memref<128x64xf32, #tpu.memory_space<hbm>>
      %dma_start3A_409 = tpu.memref_slice %arg8[%dma_start3A_402] : memref<10x!tpu.dma_semaphore, #tpu.memory_space<semaphore_mem>> -> memref<1x!tpu.dma_semaphore, #tpu.memory_space<semaphore_mem>>
      %dma_start3A_410 = tpu.memref_squeeze %dma_start3A_409 : memref<1x!tpu.dma_semaphore, #tpu.memory_space<semaphore_mem>> -> memref<!tpu.dma_semaphore, #tpu.memory_space<semaphore_mem>>
      %dma_start3A_411 = arith.constant 0 : i32
      %dma_start3A_412 = tpu.memref_slice %arg4[%add3A_400, %dma_start3A_411] : memref<819200x64xf32, #tpu.memory_space<hbm>> -> memref<128x64xf32, #tpu.memory_space<hbm>>
      %dma_start3A_413 = arith.constant 0 : i32
      %dma_start3A_414 = arith.constant 0 : i32
      %dma_start3A_415 = tpu.memref_slice %arg6[%dma_start3A_401, %dma_start3A_413, %dma_start3A_414] : memref<10x128x64xf32, #tpu.memory_space<vmem>> -> memref<1x128x64xf32, #tpu.memory_space<vmem>>
      %dma_start3A_416 = tpu.memref_squeeze %dma_start3A_415 : memref<1x128x64xf32, #tpu.memory_space<vmem>> -> memref<128x64xf32, #tpu.memory_space<vmem>>
      tpu.enqueue_dma source(%dma_start3A_416 : memref<128x64xf32, #tpu.memory_space<vmem>>) target(%dma_start3A_412 : memref<128x64xf32, #tpu.memory_space<hbm>>) target_semaphore(%dma_start3A_410 : memref<!tpu.dma_semaphore, #tpu.memory_space<semaphore_mem>>)
      %mul3A_417 = arith.constant 10 : i32
      %mul3A_418 = arith.muli %scan3A_323, %mul3A_417 : i32
      %add3A_419 = arith.constant 2 : i32
      %add3A_420 = arith.addi %mul3A_418, %add3A_419 : i32
      %add3A_421 = arith.constant 9 : i32
      %add3A_422 = arith.addi %add3A_420, %add3A_421 : i32
      %lt3A_423 = arith.constant 200 : i32
      %lt3A_424 = arith.cmpi slt, %add3A_422, %lt3A_423 : i32
      %convert_element_type3A_425 = arith.extui %lt3A_424 : i1 to i32
      %cond3A_426 = arith.constant 0 : i32
      %cond3A_427 = arith.cmpi ne, %convert_element_type3A_425, %cond3A_426 : i32
      scf.if %cond3A_427 {
        %gt3A = arith.constant 0 : i32
        %gt3A_801 = arith.cmpi sgt, %add3A_420, %gt3A : i32
        %convert_element_type3A_802 = arith.extui %gt3A_801 : i1 to i32
        %cond3A_803 = arith.constant 0 : i32
        %cond3A_804 = arith.cmpi ne, %convert_element_type3A_802, %cond3A_803 : i32
        scf.if %cond3A_804 {
          %dma_wait3A_821 = arith.constant 1 : i32
          %dma_wait3A_822 = arith.constant 1 : i32
          %dma_wait3A_823 = arith.constant 0 : i32
          %dma_wait3A_824 = arith.constant 0 : i32
          %dma_wait3A_825 = tpu.memref_slice %arg6[%dma_wait3A_821, %dma_wait3A_823, %dma_wait3A_824] : memref<10x128x64xf32, #tpu.memory_space<vmem>> -> memref<1x128x64xf32, #tpu.memory_space<vmem>>
          %dma_wait3A_826 = tpu.memref_squeeze %dma_wait3A_825 : memref<1x128x64xf32, #tpu.memory_space<vmem>> -> memref<128x64xf32, #tpu.memory_space<vmem>>
          %dma_wait3A_827 = arith.constant 0 : i32
          %dma_wait3A_828 = arith.constant 0 : i32
          %dma_wait3A_829 = tpu.memref_slice %arg4[%dma_wait3A_827, %dma_wait3A_828] : memref<819200x64xf32, #tpu.memory_space<hbm>> -> memref<128x64xf32, #tpu.memory_space<hbm>>
          %dma_wait3A_830 = tpu.memref_slice %arg8[%dma_wait3A_822] : memref<10x!tpu.dma_semaphore, #tpu.memory_space<semaphore_mem>> -> memref<1x!tpu.dma_semaphore, #tpu.memory_space<semaphore_mem>>
          %dma_wait3A_831 = tpu.memref_squeeze %dma_wait3A_830 : memref<1x!tpu.dma_semaphore, #tpu.memory_space<semaphore_mem>> -> memref<!tpu.dma_semaphore, #tpu.memory_space<semaphore_mem>>
          %dma_wait3A_832 = arith.constant 0 : i32
          %dma_wait3A_833 = arith.constant 0 : i32
          %dma_wait3A_834 = tpu.memref_slice %arg4[%dma_wait3A_832, %dma_wait3A_833] : memref<819200x64xf32, #tpu.memory_space<hbm>> -> memref<128x64xf32, #tpu.memory_space<hbm>>
          %dma_wait3A_835 = arith.constant 0 : i32
          %dma_wait3A_836 = arith.constant 0 : i32
          %dma_wait3A_837 = tpu.memref_slice %arg6[%dma_wait3A_821, %dma_wait3A_835, %dma_wait3A_836] : memref<10x128x64xf32, #tpu.memory_space<vmem>> -> memref<1x128x64xf32, #tpu.memory_space<vmem>>
          %dma_wait3A_838 = tpu.memref_squeeze %dma_wait3A_837 : memref<1x128x64xf32, #tpu.memory_space<vmem>> -> memref<128x64xf32, #tpu.memory_space<vmem>>
          tpu.wait_dma2 semaphore(%dma_wait3A_831 : memref<!tpu.dma_semaphore, #tpu.memory_space<semaphore_mem>>) src(%dma_wait3A_838 : memref<128x64xf32, #tpu.memory_space<vmem>>) dst(%dma_wait3A_834 : memref<128x64xf32, #tpu.memory_space<hbm>>)
        } else {
        }
        %add3A_805 = arith.constant 9 : i32
        %add3A_806 = arith.addi %add3A_420, %add3A_805 : i32
        %dma_start3A_807 = arith.constant 1 : i32
        %dma_start3A_808 = arith.constant 1 : i32
        %dma_start3A_809 = arith.constant 0 : i32
        %dma_start3A_810 = arith.constant 0 : i32
        %dma_start3A_811 = tpu.memref_slice %arg6[%dma_start3A_807, %dma_start3A_809, %dma_start3A_810] : memref<10x128x64xf32, #tpu.memory_space<vmem>> -> memref<1x128x64xf32, #tpu.memory_space<vmem>>
        %dma_start3A_812 = tpu.memref_squeeze %dma_start3A_811 : memref<1x128x64xf32, #tpu.memory_space<vmem>> -> memref<128x64xf32, #tpu.memory_space<vmem>>
        %dma_start3A_813 = arith.constant 0 : i32
        %dma_start3A_814 = tpu.memref_slice %arg5[%add3A_806, %dma_start3A_813] : memref<200x128xi32, #tpu.memory_space<vmem>> -> memref<1x128xi32, #tpu.memory_space<vmem>>
        %dma_start3A_815 = tpu.memref_squeeze %dma_start3A_814 : memref<1x128xi32, #tpu.memory_space<vmem>> -> memref<128xi32, #tpu.memory_space<vmem>>
        %dma_start3A_816 = arith.constant 0 : i32
        %dma_start3A_817 = arith.constant 0 : i32
        %dma_start3A_818 = tpu.memref_slice %arg2[%dma_start3A_816, %dma_start3A_817] : memref<1000000x64xf32, #tpu.memory_space<hbm>> -> memref<1000000x64xf32, #tpu.memory_space<hbm>>
        %dma_start3A_819 = tpu.memref_slice %arg7[%dma_start3A_808] : memref<10x!tpu.dma_semaphore, #tpu.memory_space<semaphore_mem>> -> memref<1x!tpu.dma_semaphore, #tpu.memory_space<semaphore_mem>>
        %dma_start3A_820 = tpu.memref_squeeze %dma_start3A_819 : memref<1x!tpu.dma_semaphore, #tpu.memory_space<semaphore_mem>> -> memref<!tpu.dma_semaphore, #tpu.memory_space<semaphore_mem>>
        tpu.enqueue_indirect_dma source(%dma_start3A_818 : memref<1000000x64xf32, #tpu.memory_space<hbm>>) target(%dma_start3A_812 : memref<128x64xf32, #tpu.memory_space<vmem>>) offsets(%dma_start3A_815 : memref<128xi32, #tpu.memory_space<vmem>>) semaphore(%dma_start3A_820 : memref<!tpu.dma_semaphore, #tpu.memory_space<semaphore_mem>>)
      } else {
      }
      %dma_wait3A_428 = arith.constant 2 : i32
      %dma_wait3A_429 = arith.constant 2 : i32
      %dma_wait3A_430 = arith.constant 0 : i32
      %dma_wait3A_431 = arith.constant 0 : i32
      %dma_wait3A_432 = tpu.memref_slice %arg6[%dma_wait3A_428, %dma_wait3A_430, %dma_wait3A_431] : memref<10x128x64xf32, #tpu.memory_space<vmem>> -> memref<1x128x64xf32, #tpu.memory_space<vmem>>
      %dma_wait3A_433 = tpu.memref_squeeze %dma_wait3A_432 : memref<1x128x64xf32, #tpu.memory_space<vmem>> -> memref<128x64xf32, #tpu.memory_space<vmem>>
      %dma_wait3A_434 = arith.constant 0 : i32
      %dma_wait3A_435 = arith.constant 0 : i32
      %dma_wait3A_436 = tpu.memref_slice %arg4[%dma_wait3A_434, %dma_wait3A_435] : memref<819200x64xf32, #tpu.memory_space<hbm>> -> memref<128x64xf32, #tpu.memory_space<hbm>>
      %dma_wait3A_437 = tpu.memref_slice %arg7[%dma_wait3A_429] : memref<10x!tpu.dma_semaphore, #tpu.memory_space<semaphore_mem>> -> memref<1x!tpu.dma_semaphore, #tpu.memory_space<semaphore_mem>>
      %dma_wait3A_438 = tpu.memref_squeeze %dma_wait3A_437 : memref<1x!tpu.dma_semaphore, #tpu.memory_space<semaphore_mem>> -> memref<!tpu.dma_semaphore, #tpu.memory_space<semaphore_mem>>
      %dma_wait3A_439 = arith.constant 0 : i32
      %dma_wait3A_440 = arith.constant 0 : i32
      %dma_wait3A_441 = tpu.memref_slice %arg6[%dma_wait3A_428, %dma_wait3A_439, %dma_wait3A_440] : memref<10x128x64xf32, #tpu.memory_space<vmem>> -> memref<1x128x64xf32, #tpu.memory_space<vmem>>
      %dma_wait3A_442 = tpu.memref_squeeze %dma_wait3A_441 : memref<1x128x64xf32, #tpu.memory_space<vmem>> -> memref<128x64xf32, #tpu.memory_space<vmem>>
      %dma_wait3A_443 = arith.constant 0 : i32
      %dma_wait3A_444 = arith.constant 0 : i32
      %dma_wait3A_445 = tpu.memref_slice %arg4[%dma_wait3A_443, %dma_wait3A_444] : memref<819200x64xf32, #tpu.memory_space<hbm>> -> memref<128x64xf32, #tpu.memory_space<hbm>>
      tpu.wait_dma2 semaphore(%dma_wait3A_438 : memref<!tpu.dma_semaphore, #tpu.memory_space<semaphore_mem>>) src(%dma_wait3A_445 : memref<128x64xf32, #tpu.memory_space<hbm>>) dst(%dma_wait3A_442 : memref<128x64xf32, #tpu.memory_space<vmem>>)
      %mul3A_446 = arith.constant 128 : i32
      %mul3A_447 = arith.muli %add3A_420, %mul3A_446 : i32
      %add3A_448 = arith.addi %mul3A_2, %mul3A_447 : i32
      %dma_start3A_449 = arith.constant 2 : i32
      %dma_start3A_450 = arith.constant 2 : i32
      %dma_start3A_451 = arith.constant 0 : i32
      %dma_start3A_452 = arith.constant 0 : i32
      %dma_start3A_453 = tpu.memref_slice %arg6[%dma_start3A_449, %dma_start3A_451, %dma_start3A_452] : memref<10x128x64xf32, #tpu.memory_space<vmem>> -> memref<1x128x64xf32, #tpu.memory_space<vmem>>
      %dma_start3A_454 = tpu.memref_squeeze %dma_start3A_453 : memref<1x128x64xf32, #tpu.memory_space<vmem>> -> memref<128x64xf32, #tpu.memory_space<vmem>>
      %dma_start3A_455 = arith.constant 0 : i32
      %dma_start3A_456 = tpu.memref_slice %arg4[%add3A_448, %dma_start3A_455] : memref<819200x64xf32, #tpu.memory_space<hbm>> -> memref<128x64xf32, #tpu.memory_space<hbm>>
      %dma_start3A_457 = tpu.memref_slice %arg8[%dma_start3A_450] : memref<10x!tpu.dma_semaphore, #tpu.memory_space<semaphore_mem>> -> memref<1x!tpu.dma_semaphore, #tpu.memory_space<semaphore_mem>>
      %dma_start3A_458 = tpu.memref_squeeze %dma_start3A_457 : memref<1x!tpu.dma_semaphore, #tpu.memory_space<semaphore_mem>> -> memref<!tpu.dma_semaphore, #tpu.memory_space<semaphore_mem>>
      %dma_start3A_459 = arith.constant 0 : i32
      %dma_start3A_460 = tpu.memref_slice %arg4[%add3A_448, %dma_start3A_459] : memref<819200x64xf32, #tpu.memory_space<hbm>> -> memref<128x64xf32, #tpu.memory_space<hbm>>
      %dma_start3A_461 = arith.constant 0 : i32
      %dma_start3A_462 = arith.constant 0 : i32
      %dma_start3A_463 = tpu.memref_slice %arg6[%dma_start3A_449, %dma_start3A_461, %dma_start3A_462] : memref<10x128x64xf32, #tpu.memory_space<vmem>> -> memref<1x128x64xf32, #tpu.memory_space<vmem>>
      %dma_start3A_464 = tpu.memref_squeeze %dma_start3A_463 : memref<1x128x64xf32, #tpu.memory_space<vmem>> -> memref<128x64xf32, #tpu.memory_space<vmem>>
      tpu.enqueue_dma source(%dma_start3A_464 : memref<128x64xf32, #tpu.memory_space<vmem>>) target(%dma_start3A_460 : memref<128x64xf32, #tpu.memory_space<hbm>>) target_semaphore(%dma_start3A_458 : memref<!tpu.dma_semaphore, #tpu.memory_space<semaphore_mem>>)
      %mul3A_465 = arith.constant 10 : i32
      %mul3A_466 = arith.muli %scan3A_323, %mul3A_465 : i32
      %add3A_467 = arith.constant 3 : i32
      %add3A_468 = arith.addi %mul3A_466, %add3A_467 : i32
      %add3A_469 = arith.constant 9 : i32
      %add3A_470 = arith.addi %add3A_468, %add3A_469 : i32
      %lt3A_471 = arith.constant 200 : i32
      %lt3A_472 = arith.cmpi slt, %add3A_470, %lt3A_471 : i32
      %convert_element_type3A_473 = arith.extui %lt3A_472 : i1 to i32
      %cond3A_474 = arith.constant 0 : i32
      %cond3A_475 = arith.cmpi ne, %convert_element_type3A_473, %cond3A_474 : i32
      scf.if %cond3A_475 {
        %gt3A = arith.constant 0 : i32
        %gt3A_801 = arith.cmpi sgt, %add3A_468, %gt3A : i32
        %convert_element_type3A_802 = arith.extui %gt3A_801 : i1 to i32
        %cond3A_803 = arith.constant 0 : i32
        %cond3A_804 = arith.cmpi ne, %convert_element_type3A_802, %cond3A_803 : i32
        scf.if %cond3A_804 {
          %dma_wait3A_821 = arith.constant 2 : i32
          %dma_wait3A_822 = arith.constant 2 : i32
          %dma_wait3A_823 = arith.constant 0 : i32
          %dma_wait3A_824 = arith.constant 0 : i32
          %dma_wait3A_825 = tpu.memref_slice %arg6[%dma_wait3A_821, %dma_wait3A_823, %dma_wait3A_824] : memref<10x128x64xf32, #tpu.memory_space<vmem>> -> memref<1x128x64xf32, #tpu.memory_space<vmem>>
          %dma_wait3A_826 = tpu.memref_squeeze %dma_wait3A_825 : memref<1x128x64xf32, #tpu.memory_space<vmem>> -> memref<128x64xf32, #tpu.memory_space<vmem>>
          %dma_wait3A_827 = arith.constant 0 : i32
          %dma_wait3A_828 = arith.constant 0 : i32
          %dma_wait3A_829 = tpu.memref_slice %arg4[%dma_wait3A_827, %dma_wait3A_828] : memref<819200x64xf32, #tpu.memory_space<hbm>> -> memref<128x64xf32, #tpu.memory_space<hbm>>
          %dma_wait3A_830 = tpu.memref_slice %arg8[%dma_wait3A_822] : memref<10x!tpu.dma_semaphore, #tpu.memory_space<semaphore_mem>> -> memref<1x!tpu.dma_semaphore, #tpu.memory_space<semaphore_mem>>
          %dma_wait3A_831 = tpu.memref_squeeze %dma_wait3A_830 : memref<1x!tpu.dma_semaphore, #tpu.memory_space<semaphore_mem>> -> memref<!tpu.dma_semaphore, #tpu.memory_space<semaphore_mem>>
          %dma_wait3A_832 = arith.constant 0 : i32
          %dma_wait3A_833 = arith.constant 0 : i32
          %dma_wait3A_834 = tpu.memref_slice %arg4[%dma_wait3A_832, %dma_wait3A_833] : memref<819200x64xf32, #tpu.memory_space<hbm>> -> memref<128x64xf32, #tpu.memory_space<hbm>>
          %dma_wait3A_835 = arith.constant 0 : i32
          %dma_wait3A_836 = arith.constant 0 : i32
          %dma_wait3A_837 = tpu.memref_slice %arg6[%dma_wait3A_821, %dma_wait3A_835, %dma_wait3A_836] : memref<10x128x64xf32, #tpu.memory_space<vmem>> -> memref<1x128x64xf32, #tpu.memory_space<vmem>>
          %dma_wait3A_838 = tpu.memref_squeeze %dma_wait3A_837 : memref<1x128x64xf32, #tpu.memory_space<vmem>> -> memref<128x64xf32, #tpu.memory_space<vmem>>
          tpu.wait_dma2 semaphore(%dma_wait3A_831 : memref<!tpu.dma_semaphore, #tpu.memory_space<semaphore_mem>>) src(%dma_wait3A_838 : memref<128x64xf32, #tpu.memory_space<vmem>>) dst(%dma_wait3A_834 : memref<128x64xf32, #tpu.memory_space<hbm>>)
        } else {
        }
        %add3A_805 = arith.constant 9 : i32
        %add3A_806 = arith.addi %add3A_468, %add3A_805 : i32
        %dma_start3A_807 = arith.constant 2 : i32
        %dma_start3A_808 = arith.constant 2 : i32
        %dma_start3A_809 = arith.constant 0 : i32
        %dma_start3A_810 = arith.constant 0 : i32
        %dma_start3A_811 = tpu.memref_slice %arg6[%dma_start3A_807, %dma_start3A_809, %dma_start3A_810] : memref<10x128x64xf32, #tpu.memory_space<vmem>> -> memref<1x128x64xf32, #tpu.memory_space<vmem>>
        %dma_start3A_812 = tpu.memref_squeeze %dma_start3A_811 : memref<1x128x64xf32, #tpu.memory_space<vmem>> -> memref<128x64xf32, #tpu.memory_space<vmem>>
        %dma_start3A_813 = arith.constant 0 : i32
        %dma_start3A_814 = tpu.memref_slice %arg5[%add3A_806, %dma_start3A_813] : memref<200x128xi32, #tpu.memory_space<vmem>> -> memref<1x128xi32, #tpu.memory_space<vmem>>
        %dma_start3A_815 = tpu.memref_squeeze %dma_start3A_814 : memref<1x128xi32, #tpu.memory_space<vmem>> -> memref<128xi32, #tpu.memory_space<vmem>>
        %dma_start3A_816 = arith.constant 0 : i32
        %dma_start3A_817 = arith.constant 0 : i32
        %dma_start3A_818 = tpu.memref_slice %arg2[%dma_start3A_816, %dma_start3A_817] : memref<1000000x64xf32, #tpu.memory_space<hbm>> -> memref<1000000x64xf32, #tpu.memory_space<hbm>>
        %dma_start3A_819 = tpu.memref_slice %arg7[%dma_start3A_808] : memref<10x!tpu.dma_semaphore, #tpu.memory_space<semaphore_mem>> -> memref<1x!tpu.dma_semaphore, #tpu.memory_space<semaphore_mem>>
        %dma_start3A_820 = tpu.memref_squeeze %dma_start3A_819 : memref<1x!tpu.dma_semaphore, #tpu.memory_space<semaphore_mem>> -> memref<!tpu.dma_semaphore, #tpu.memory_space<semaphore_mem>>
        tpu.enqueue_indirect_dma source(%dma_start3A_818 : memref<1000000x64xf32, #tpu.memory_space<hbm>>) target(%dma_start3A_812 : memref<128x64xf32, #tpu.memory_space<vmem>>) offsets(%dma_start3A_815 : memref<128xi32, #tpu.memory_space<vmem>>) semaphore(%dma_start3A_820 : memref<!tpu.dma_semaphore, #tpu.memory_space<semaphore_mem>>)
      } else {
      }
      %dma_wait3A_476 = arith.constant 3 : i32
      %dma_wait3A_477 = arith.constant 3 : i32
      %dma_wait3A_478 = arith.constant 0 : i32
      %dma_wait3A_479 = arith.constant 0 : i32
      %dma_wait3A_480 = tpu.memref_slice %arg6[%dma_wait3A_476, %dma_wait3A_478, %dma_wait3A_479] : memref<10x128x64xf32, #tpu.memory_space<vmem>> -> memref<1x128x64xf32, #tpu.memory_space<vmem>>
      %dma_wait3A_481 = tpu.memref_squeeze %dma_wait3A_480 : memref<1x128x64xf32, #tpu.memory_space<vmem>> -> memref<128x64xf32, #tpu.memory_space<vmem>>
      %dma_wait3A_482 = arith.constant 0 : i32
      %dma_wait3A_483 = arith.constant 0 : i32
      %dma_wait3A_484 = tpu.memref_slice %arg4[%dma_wait3A_482, %dma_wait3A_483] : memref<819200x64xf32, #tpu.memory_space<hbm>> -> memref<128x64xf32, #tpu.memory_space<hbm>>
      %dma_wait3A_485 = tpu.memref_slice %arg7[%dma_wait3A_477] : memref<10x!tpu.dma_semaphore, #tpu.memory_space<semaphore_mem>> -> memref<1x!tpu.dma_semaphore, #tpu.memory_space<semaphore_mem>>
      %dma_wait3A_486 = tpu.memref_squeeze %dma_wait3A_485 : memref<1x!tpu.dma_semaphore, #tpu.memory_space<semaphore_mem>> -> memref<!tpu.dma_semaphore, #tpu.memory_space<semaphore_mem>>
      %dma_wait3A_487 = arith.constant 0 : i32
      %dma_wait3A_488 = arith.constant 0 : i32
      %dma_wait3A_489 = tpu.memref_slice %arg6[%dma_wait3A_476, %dma_wait3A_487, %dma_wait3A_488] : memref<10x128x64xf32, #tpu.memory_space<vmem>> -> memref<1x128x64xf32, #tpu.memory_space<vmem>>
      %dma_wait3A_490 = tpu.memref_squeeze %dma_wait3A_489 : memref<1x128x64xf32, #tpu.memory_space<vmem>> -> memref<128x64xf32, #tpu.memory_space<vmem>>
      %dma_wait3A_491 = arith.constant 0 : i32
      %dma_wait3A_492 = arith.constant 0 : i32
      %dma_wait3A_493 = tpu.memref_slice %arg4[%dma_wait3A_491, %dma_wait3A_492] : memref<819200x64xf32, #tpu.memory_space<hbm>> -> memref<128x64xf32, #tpu.memory_space<hbm>>
      tpu.wait_dma2 semaphore(%dma_wait3A_486 : memref<!tpu.dma_semaphore, #tpu.memory_space<semaphore_mem>>) src(%dma_wait3A_493 : memref<128x64xf32, #tpu.memory_space<hbm>>) dst(%dma_wait3A_490 : memref<128x64xf32, #tpu.memory_space<vmem>>)
      %mul3A_494 = arith.constant 128 : i32
      %mul3A_495 = arith.muli %add3A_468, %mul3A_494 : i32
      %add3A_496 = arith.addi %mul3A_2, %mul3A_495 : i32
      %dma_start3A_497 = arith.constant 3 : i32
      %dma_start3A_498 = arith.constant 3 : i32
      %dma_start3A_499 = arith.constant 0 : i32
      %dma_start3A_500 = arith.constant 0 : i32
      %dma_start3A_501 = tpu.memref_slice %arg6[%dma_start3A_497, %dma_start3A_499, %dma_start3A_500] : memref<10x128x64xf32, #tpu.memory_space<vmem>> -> memref<1x128x64xf32, #tpu.memory_space<vmem>>
      %dma_start3A_502 = tpu.memref_squeeze %dma_start3A_501 : memref<1x128x64xf32, #tpu.memory_space<vmem>> -> memref<128x64xf32, #tpu.memory_space<vmem>>
      %dma_start3A_503 = arith.constant 0 : i32
      %dma_start3A_504 = tpu.memref_slice %arg4[%add3A_496, %dma_start3A_503] : memref<819200x64xf32, #tpu.memory_space<hbm>> -> memref<128x64xf32, #tpu.memory_space<hbm>>
      %dma_start3A_505 = tpu.memref_slice %arg8[%dma_start3A_498] : memref<10x!tpu.dma_semaphore, #tpu.memory_space<semaphore_mem>> -> memref<1x!tpu.dma_semaphore, #tpu.memory_space<semaphore_mem>>
      %dma_start3A_506 = tpu.memref_squeeze %dma_start3A_505 : memref<1x!tpu.dma_semaphore, #tpu.memory_space<semaphore_mem>> -> memref<!tpu.dma_semaphore, #tpu.memory_space<semaphore_mem>>
      %dma_start3A_507 = arith.constant 0 : i32
      %dma_start3A_508 = tpu.memref_slice %arg4[%add3A_496, %dma_start3A_507] : memref<819200x64xf32, #tpu.memory_space<hbm>> -> memref<128x64xf32, #tpu.memory_space<hbm>>
      %dma_start3A_509 = arith.constant 0 : i32
      %dma_start3A_510 = arith.constant 0 : i32
      %dma_start3A_511 = tpu.memref_slice %arg6[%dma_start3A_497, %dma_start3A_509, %dma_start3A_510] : memref<10x128x64xf32, #tpu.memory_space<vmem>> -> memref<1x128x64xf32, #tpu.memory_space<vmem>>
      %dma_start3A_512 = tpu.memref_squeeze %dma_start3A_511 : memref<1x128x64xf32, #tpu.memory_space<vmem>> -> memref<128x64xf32, #tpu.memory_space<vmem>>
      tpu.enqueue_dma source(%dma_start3A_512 : memref<128x64xf32, #tpu.memory_space<vmem>>) target(%dma_start3A_508 : memref<128x64xf32, #tpu.memory_space<hbm>>) target_semaphore(%dma_start3A_506 : memref<!tpu.dma_semaphore, #tpu.memory_space<semaphore_mem>>)
      %mul3A_513 = arith.constant 10 : i32
      %mul3A_514 = arith.muli %scan3A_323, %mul3A_513 : i32
      %add3A_515 = arith.constant 4 : i32
      %add3A_516 = arith.addi %mul3A_514, %add3A_515 : i32
      %add3A_517 = arith.constant 9 : i32
      %add3A_518 = arith.addi %add3A_516, %add3A_517 : i32
      %lt3A_519 = arith.constant 200 : i32
      %lt3A_520 = arith.cmpi slt, %add3A_518, %lt3A_519 : i32
      %convert_element_type3A_521 = arith.extui %lt3A_520 : i1 to i32
      %cond3A_522 = arith.constant 0 : i32
      %cond3A_523 = arith.cmpi ne, %convert_element_type3A_521, %cond3A_522 : i32
      scf.if %cond3A_523 {
        %gt3A = arith.constant 0 : i32
        %gt3A_801 = arith.cmpi sgt, %add3A_516, %gt3A : i32
        %convert_element_type3A_802 = arith.extui %gt3A_801 : i1 to i32
        %cond3A_803 = arith.constant 0 : i32
        %cond3A_804 = arith.cmpi ne, %convert_element_type3A_802, %cond3A_803 : i32
        scf.if %cond3A_804 {
          %dma_wait3A_821 = arith.constant 3 : i32
          %dma_wait3A_822 = arith.constant 3 : i32
          %dma_wait3A_823 = arith.constant 0 : i32
          %dma_wait3A_824 = arith.constant 0 : i32
          %dma_wait3A_825 = tpu.memref_slice %arg6[%dma_wait3A_821, %dma_wait3A_823, %dma_wait3A_824] : memref<10x128x64xf32, #tpu.memory_space<vmem>> -> memref<1x128x64xf32, #tpu.memory_space<vmem>>
          %dma_wait3A_826 = tpu.memref_squeeze %dma_wait3A_825 : memref<1x128x64xf32, #tpu.memory_space<vmem>> -> memref<128x64xf32, #tpu.memory_space<vmem>>
          %dma_wait3A_827 = arith.constant 0 : i32
          %dma_wait3A_828 = arith.constant 0 : i32
          %dma_wait3A_829 = tpu.memref_slice %arg4[%dma_wait3A_827, %dma_wait3A_828] : memref<819200x64xf32, #tpu.memory_space<hbm>> -> memref<128x64xf32, #tpu.memory_space<hbm>>
          %dma_wait3A_830 = tpu.memref_slice %arg8[%dma_wait3A_822] : memref<10x!tpu.dma_semaphore, #tpu.memory_space<semaphore_mem>> -> memref<1x!tpu.dma_semaphore, #tpu.memory_space<semaphore_mem>>
          %dma_wait3A_831 = tpu.memref_squeeze %dma_wait3A_830 : memref<1x!tpu.dma_semaphore, #tpu.memory_space<semaphore_mem>> -> memref<!tpu.dma_semaphore, #tpu.memory_space<semaphore_mem>>
          %dma_wait3A_832 = arith.constant 0 : i32
          %dma_wait3A_833 = arith.constant 0 : i32
          %dma_wait3A_834 = tpu.memref_slice %arg4[%dma_wait3A_832, %dma_wait3A_833] : memref<819200x64xf32, #tpu.memory_space<hbm>> -> memref<128x64xf32, #tpu.memory_space<hbm>>
          %dma_wait3A_835 = arith.constant 0 : i32
          %dma_wait3A_836 = arith.constant 0 : i32
          %dma_wait3A_837 = tpu.memref_slice %arg6[%dma_wait3A_821, %dma_wait3A_835, %dma_wait3A_836] : memref<10x128x64xf32, #tpu.memory_space<vmem>> -> memref<1x128x64xf32, #tpu.memory_space<vmem>>
          %dma_wait3A_838 = tpu.memref_squeeze %dma_wait3A_837 : memref<1x128x64xf32, #tpu.memory_space<vmem>> -> memref<128x64xf32, #tpu.memory_space<vmem>>
          tpu.wait_dma2 semaphore(%dma_wait3A_831 : memref<!tpu.dma_semaphore, #tpu.memory_space<semaphore_mem>>) src(%dma_wait3A_838 : memref<128x64xf32, #tpu.memory_space<vmem>>) dst(%dma_wait3A_834 : memref<128x64xf32, #tpu.memory_space<hbm>>)
        } else {
        }
        %add3A_805 = arith.constant 9 : i32
        %add3A_806 = arith.addi %add3A_516, %add3A_805 : i32
        %dma_start3A_807 = arith.constant 3 : i32
        %dma_start3A_808 = arith.constant 3 : i32
        %dma_start3A_809 = arith.constant 0 : i32
        %dma_start3A_810 = arith.constant 0 : i32
        %dma_start3A_811 = tpu.memref_slice %arg6[%dma_start3A_807, %dma_start3A_809, %dma_start3A_810] : memref<10x128x64xf32, #tpu.memory_space<vmem>> -> memref<1x128x64xf32, #tpu.memory_space<vmem>>
        %dma_start3A_812 = tpu.memref_squeeze %dma_start3A_811 : memref<1x128x64xf32, #tpu.memory_space<vmem>> -> memref<128x64xf32, #tpu.memory_space<vmem>>
        %dma_start3A_813 = arith.constant 0 : i32
        %dma_start3A_814 = tpu.memref_slice %arg5[%add3A_806, %dma_start3A_813] : memref<200x128xi32, #tpu.memory_space<vmem>> -> memref<1x128xi32, #tpu.memory_space<vmem>>
        %dma_start3A_815 = tpu.memref_squeeze %dma_start3A_814 : memref<1x128xi32, #tpu.memory_space<vmem>> -> memref<128xi32, #tpu.memory_space<vmem>>
        %dma_start3A_816 = arith.constant 0 : i32
        %dma_start3A_817 = arith.constant 0 : i32
        %dma_start3A_818 = tpu.memref_slice %arg2[%dma_start3A_816, %dma_start3A_817] : memref<1000000x64xf32, #tpu.memory_space<hbm>> -> memref<1000000x64xf32, #tpu.memory_space<hbm>>
        %dma_start3A_819 = tpu.memref_slice %arg7[%dma_start3A_808] : memref<10x!tpu.dma_semaphore, #tpu.memory_space<semaphore_mem>> -> memref<1x!tpu.dma_semaphore, #tpu.memory_space<semaphore_mem>>
        %dma_start3A_820 = tpu.memref_squeeze %dma_start3A_819 : memref<1x!tpu.dma_semaphore, #tpu.memory_space<semaphore_mem>> -> memref<!tpu.dma_semaphore, #tpu.memory_space<semaphore_mem>>
        tpu.enqueue_indirect_dma source(%dma_start3A_818 : memref<1000000x64xf32, #tpu.memory_space<hbm>>) target(%dma_start3A_812 : memref<128x64xf32, #tpu.memory_space<vmem>>) offsets(%dma_start3A_815 : memref<128xi32, #tpu.memory_space<vmem>>) semaphore(%dma_start3A_820 : memref<!tpu.dma_semaphore, #tpu.memory_space<semaphore_mem>>)
      } else {
      }
      %dma_wait3A_524 = arith.constant 4 : i32
      %dma_wait3A_525 = arith.constant 4 : i32
      %dma_wait3A_526 = arith.constant 0 : i32
      %dma_wait3A_527 = arith.constant 0 : i32
      %dma_wait3A_528 = tpu.memref_slice %arg6[%dma_wait3A_524, %dma_wait3A_526, %dma_wait3A_527] : memref<10x128x64xf32, #tpu.memory_space<vmem>> -> memref<1x128x64xf32, #tpu.memory_space<vmem>>
      %dma_wait3A_529 = tpu.memref_squeeze %dma_wait3A_528 : memref<1x128x64xf32, #tpu.memory_space<vmem>> -> memref<128x64xf32, #tpu.memory_space<vmem>>
      %dma_wait3A_530 = arith.constant 0 : i32
      %dma_wait3A_531 = arith.constant 0 : i32
      %dma_wait3A_532 = tpu.memref_slice %arg4[%dma_wait3A_530, %dma_wait3A_531] : memref<819200x64xf32, #tpu.memory_space<hbm>> -> memref<128x64xf32, #tpu.memory_space<hbm>>
      %dma_wait3A_533 = tpu.memref_slice %arg7[%dma_wait3A_525] : memref<10x!tpu.dma_semaphore, #tpu.memory_space<semaphore_mem>> -> memref<1x!tpu.dma_semaphore, #tpu.memory_space<semaphore_mem>>
      %dma_wait3A_534 = tpu.memref_squeeze %dma_wait3A_533 : memref<1x!tpu.dma_semaphore, #tpu.memory_space<semaphore_mem>> -> memref<!tpu.dma_semaphore, #tpu.memory_space<semaphore_mem>>
      %dma_wait3A_535 = arith.constant 0 : i32
      %dma_wait3A_536 = arith.constant 0 : i32
      %dma_wait3A_537 = tpu.memref_slice %arg6[%dma_wait3A_524, %dma_wait3A_535, %dma_wait3A_536] : memref<10x128x64xf32, #tpu.memory_space<vmem>> -> memref<1x128x64xf32, #tpu.memory_space<vmem>>
      %dma_wait3A_538 = tpu.memref_squeeze %dma_wait3A_537 : memref<1x128x64xf32, #tpu.memory_space<vmem>> -> memref<128x64xf32, #tpu.memory_space<vmem>>
      %dma_wait3A_539 = arith.constant 0 : i32
      %dma_wait3A_540 = arith.constant 0 : i32
      %dma_wait3A_541 = tpu.memref_slice %arg4[%dma_wait3A_539, %dma_wait3A_540] : memref<819200x64xf32, #tpu.memory_space<hbm>> -> memref<128x64xf32, #tpu.memory_space<hbm>>
      tpu.wait_dma2 semaphore(%dma_wait3A_534 : memref<!tpu.dma_semaphore, #tpu.memory_space<semaphore_mem>>) src(%dma_wait3A_541 : memref<128x64xf32, #tpu.memory_space<hbm>>) dst(%dma_wait3A_538 : memref<128x64xf32, #tpu.memory_space<vmem>>)
      %mul3A_542 = arith.constant 128 : i32
      %mul3A_543 = arith.muli %add3A_516, %mul3A_542 : i32
      %add3A_544 = arith.addi %mul3A_2, %mul3A_543 : i32
      %dma_start3A_545 = arith.constant 4 : i32
      %dma_start3A_546 = arith.constant 4 : i32
      %dma_start3A_547 = arith.constant 0 : i32
      %dma_start3A_548 = arith.constant 0 : i32
      %dma_start3A_549 = tpu.memref_slice %arg6[%dma_start3A_545, %dma_start3A_547, %dma_start3A_548] : memref<10x128x64xf32, #tpu.memory_space<vmem>> -> memref<1x128x64xf32, #tpu.memory_space<vmem>>
      %dma_start3A_550 = tpu.memref_squeeze %dma_start3A_549 : memref<1x128x64xf32, #tpu.memory_space<vmem>> -> memref<128x64xf32, #tpu.memory_space<vmem>>
      %dma_start3A_551 = arith.constant 0 : i32
      %dma_start3A_552 = tpu.memref_slice %arg4[%add3A_544, %dma_start3A_551] : memref<819200x64xf32, #tpu.memory_space<hbm>> -> memref<128x64xf32, #tpu.memory_space<hbm>>
      %dma_start3A_553 = tpu.memref_slice %arg8[%dma_start3A_546] : memref<10x!tpu.dma_semaphore, #tpu.memory_space<semaphore_mem>> -> memref<1x!tpu.dma_semaphore, #tpu.memory_space<semaphore_mem>>
      %dma_start3A_554 = tpu.memref_squeeze %dma_start3A_553 : memref<1x!tpu.dma_semaphore, #tpu.memory_space<semaphore_mem>> -> memref<!tpu.dma_semaphore, #tpu.memory_space<semaphore_mem>>
      %dma_start3A_555 = arith.constant 0 : i32
      %dma_start3A_556 = tpu.memref_slice %arg4[%add3A_544, %dma_start3A_555] : memref<819200x64xf32, #tpu.memory_space<hbm>> -> memref<128x64xf32, #tpu.memory_space<hbm>>
      %dma_start3A_557 = arith.constant 0 : i32
      %dma_start3A_558 = arith.constant 0 : i32
      %dma_start3A_559 = tpu.memref_slice %arg6[%dma_start3A_545, %dma_start3A_557, %dma_start3A_558] : memref<10x128x64xf32, #tpu.memory_space<vmem>> -> memref<1x128x64xf32, #tpu.memory_space<vmem>>
      %dma_start3A_560 = tpu.memref_squeeze %dma_start3A_559 : memref<1x128x64xf32, #tpu.memory_space<vmem>> -> memref<128x64xf32, #tpu.memory_space<vmem>>
      tpu.enqueue_dma source(%dma_start3A_560 : memref<128x64xf32, #tpu.memory_space<vmem>>) target(%dma_start3A_556 : memref<128x64xf32, #tpu.memory_space<hbm>>) target_semaphore(%dma_start3A_554 : memref<!tpu.dma_semaphore, #tpu.memory_space<semaphore_mem>>)
      %mul3A_561 = arith.constant 10 : i32
      %mul3A_562 = arith.muli %scan3A_323, %mul3A_561 : i32
      %add3A_563 = arith.constant 5 : i32
      %add3A_564 = arith.addi %mul3A_562, %add3A_563 : i32
      %add3A_565 = arith.constant 9 : i32
      %add3A_566 = arith.addi %add3A_564, %add3A_565 : i32
      %lt3A_567 = arith.constant 200 : i32
      %lt3A_568 = arith.cmpi slt, %add3A_566, %lt3A_567 : i32
      %convert_element_type3A_569 = arith.extui %lt3A_568 : i1 to i32
      %cond3A_570 = arith.constant 0 : i32
      %cond3A_571 = arith.cmpi ne, %convert_element_type3A_569, %cond3A_570 : i32
      scf.if %cond3A_571 {
        %gt3A = arith.constant 0 : i32
        %gt3A_801 = arith.cmpi sgt, %add3A_564, %gt3A : i32
        %convert_element_type3A_802 = arith.extui %gt3A_801 : i1 to i32
        %cond3A_803 = arith.constant 0 : i32
        %cond3A_804 = arith.cmpi ne, %convert_element_type3A_802, %cond3A_803 : i32
        scf.if %cond3A_804 {
          %dma_wait3A_821 = arith.constant 4 : i32
          %dma_wait3A_822 = arith.constant 4 : i32
          %dma_wait3A_823 = arith.constant 0 : i32
          %dma_wait3A_824 = arith.constant 0 : i32
          %dma_wait3A_825 = tpu.memref_slice %arg6[%dma_wait3A_821, %dma_wait3A_823, %dma_wait3A_824] : memref<10x128x64xf32, #tpu.memory_space<vmem>> -> memref<1x128x64xf32, #tpu.memory_space<vmem>>
          %dma_wait3A_826 = tpu.memref_squeeze %dma_wait3A_825 : memref<1x128x64xf32, #tpu.memory_space<vmem>> -> memref<128x64xf32, #tpu.memory_space<vmem>>
          %dma_wait3A_827 = arith.constant 0 : i32
          %dma_wait3A_828 = arith.constant 0 : i32
          %dma_wait3A_829 = tpu.memref_slice %arg4[%dma_wait3A_827, %dma_wait3A_828] : memref<819200x64xf32, #tpu.memory_space<hbm>> -> memref<128x64xf32, #tpu.memory_space<hbm>>
          %dma_wait3A_830 = tpu.memref_slice %arg8[%dma_wait3A_822] : memref<10x!tpu.dma_semaphore, #tpu.memory_space<semaphore_mem>> -> memref<1x!tpu.dma_semaphore, #tpu.memory_space<semaphore_mem>>
          %dma_wait3A_831 = tpu.memref_squeeze %dma_wait3A_830 : memref<1x!tpu.dma_semaphore, #tpu.memory_space<semaphore_mem>> -> memref<!tpu.dma_semaphore, #tpu.memory_space<semaphore_mem>>
          %dma_wait3A_832 = arith.constant 0 : i32
          %dma_wait3A_833 = arith.constant 0 : i32
          %dma_wait3A_834 = tpu.memref_slice %arg4[%dma_wait3A_832, %dma_wait3A_833] : memref<819200x64xf32, #tpu.memory_space<hbm>> -> memref<128x64xf32, #tpu.memory_space<hbm>>
          %dma_wait3A_835 = arith.constant 0 : i32
          %dma_wait3A_836 = arith.constant 0 : i32
          %dma_wait3A_837 = tpu.memref_slice %arg6[%dma_wait3A_821, %dma_wait3A_835, %dma_wait3A_836] : memref<10x128x64xf32, #tpu.memory_space<vmem>> -> memref<1x128x64xf32, #tpu.memory_space<vmem>>
          %dma_wait3A_838 = tpu.memref_squeeze %dma_wait3A_837 : memref<1x128x64xf32, #tpu.memory_space<vmem>> -> memref<128x64xf32, #tpu.memory_space<vmem>>
          tpu.wait_dma2 semaphore(%dma_wait3A_831 : memref<!tpu.dma_semaphore, #tpu.memory_space<semaphore_mem>>) src(%dma_wait3A_838 : memref<128x64xf32, #tpu.memory_space<vmem>>) dst(%dma_wait3A_834 : memref<128x64xf32, #tpu.memory_space<hbm>>)
        } else {
        }
        %add3A_805 = arith.constant 9 : i32
        %add3A_806 = arith.addi %add3A_564, %add3A_805 : i32
        %dma_start3A_807 = arith.constant 4 : i32
        %dma_start3A_808 = arith.constant 4 : i32
        %dma_start3A_809 = arith.constant 0 : i32
        %dma_start3A_810 = arith.constant 0 : i32
        %dma_start3A_811 = tpu.memref_slice %arg6[%dma_start3A_807, %dma_start3A_809, %dma_start3A_810] : memref<10x128x64xf32, #tpu.memory_space<vmem>> -> memref<1x128x64xf32, #tpu.memory_space<vmem>>
        %dma_start3A_812 = tpu.memref_squeeze %dma_start3A_811 : memref<1x128x64xf32, #tpu.memory_space<vmem>> -> memref<128x64xf32, #tpu.memory_space<vmem>>
        %dma_start3A_813 = arith.constant 0 : i32
        %dma_start3A_814 = tpu.memref_slice %arg5[%add3A_806, %dma_start3A_813] : memref<200x128xi32, #tpu.memory_space<vmem>> -> memref<1x128xi32, #tpu.memory_space<vmem>>
        %dma_start3A_815 = tpu.memref_squeeze %dma_start3A_814 : memref<1x128xi32, #tpu.memory_space<vmem>> -> memref<128xi32, #tpu.memory_space<vmem>>
        %dma_start3A_816 = arith.constant 0 : i32
        %dma_start3A_817 = arith.constant 0 : i32
        %dma_start3A_818 = tpu.memref_slice %arg2[%dma_start3A_816, %dma_start3A_817] : memref<1000000x64xf32, #tpu.memory_space<hbm>> -> memref<1000000x64xf32, #tpu.memory_space<hbm>>
        %dma_start3A_819 = tpu.memref_slice %arg7[%dma_start3A_808] : memref<10x!tpu.dma_semaphore, #tpu.memory_space<semaphore_mem>> -> memref<1x!tpu.dma_semaphore, #tpu.memory_space<semaphore_mem>>
        %dma_start3A_820 = tpu.memref_squeeze %dma_start3A_819 : memref<1x!tpu.dma_semaphore, #tpu.memory_space<semaphore_mem>> -> memref<!tpu.dma_semaphore, #tpu.memory_space<semaphore_mem>>
        tpu.enqueue_indirect_dma source(%dma_start3A_818 : memref<1000000x64xf32, #tpu.memory_space<hbm>>) target(%dma_start3A_812 : memref<128x64xf32, #tpu.memory_space<vmem>>) offsets(%dma_start3A_815 : memref<128xi32, #tpu.memory_space<vmem>>) semaphore(%dma_start3A_820 : memref<!tpu.dma_semaphore, #tpu.memory_space<semaphore_mem>>)
      } else {
      }
      %dma_wait3A_572 = arith.constant 5 : i32
      %dma_wait3A_573 = arith.constant 5 : i32
      %dma_wait3A_574 = arith.constant 0 : i32
      %dma_wait3A_575 = arith.constant 0 : i32
      %dma_wait3A_576 = tpu.memref_slice %arg6[%dma_wait3A_572, %dma_wait3A_574, %dma_wait3A_575] : memref<10x128x64xf32, #tpu.memory_space<vmem>> -> memref<1x128x64xf32, #tpu.memory_space<vmem>>
      %dma_wait3A_577 = tpu.memref_squeeze %dma_wait3A_576 : memref<1x128x64xf32, #tpu.memory_space<vmem>> -> memref<128x64xf32, #tpu.memory_space<vmem>>
      %dma_wait3A_578 = arith.constant 0 : i32
      %dma_wait3A_579 = arith.constant 0 : i32
      %dma_wait3A_580 = tpu.memref_slice %arg4[%dma_wait3A_578, %dma_wait3A_579] : memref<819200x64xf32, #tpu.memory_space<hbm>> -> memref<128x64xf32, #tpu.memory_space<hbm>>
      %dma_wait3A_581 = tpu.memref_slice %arg7[%dma_wait3A_573] : memref<10x!tpu.dma_semaphore, #tpu.memory_space<semaphore_mem>> -> memref<1x!tpu.dma_semaphore, #tpu.memory_space<semaphore_mem>>
      %dma_wait3A_582 = tpu.memref_squeeze %dma_wait3A_581 : memref<1x!tpu.dma_semaphore, #tpu.memory_space<semaphore_mem>> -> memref<!tpu.dma_semaphore, #tpu.memory_space<semaphore_mem>>
      %dma_wait3A_583 = arith.constant 0 : i32
      %dma_wait3A_584 = arith.constant 0 : i32
      %dma_wait3A_585 = tpu.memref_slice %arg6[%dma_wait3A_572, %dma_wait3A_583, %dma_wait3A_584] : memref<10x128x64xf32, #tpu.memory_space<vmem>> -> memref<1x128x64xf32, #tpu.memory_space<vmem>>
      %dma_wait3A_586 = tpu.memref_squeeze %dma_wait3A_585 : memref<1x128x64xf32, #tpu.memory_space<vmem>> -> memref<128x64xf32, #tpu.memory_space<vmem>>
      %dma_wait3A_587 = arith.constant 0 : i32
      %dma_wait3A_588 = arith.constant 0 : i32
      %dma_wait3A_589 = tpu.memref_slice %arg4[%dma_wait3A_587, %dma_wait3A_588] : memref<819200x64xf32, #tpu.memory_space<hbm>> -> memref<128x64xf32, #tpu.memory_space<hbm>>
      tpu.wait_dma2 semaphore(%dma_wait3A_582 : memref<!tpu.dma_semaphore, #tpu.memory_space<semaphore_mem>>) src(%dma_wait3A_589 : memref<128x64xf32, #tpu.memory_space<hbm>>) dst(%dma_wait3A_586 : memref<128x64xf32, #tpu.memory_space<vmem>>)
      %mul3A_590 = arith.constant 128 : i32
      %mul3A_591 = arith.muli %add3A_564, %mul3A_590 : i32
      %add3A_592 = arith.addi %mul3A_2, %mul3A_591 : i32
      %dma_start3A_593 = arith.constant 5 : i32
      %dma_start3A_594 = arith.constant 5 : i32
      %dma_start3A_595 = arith.constant 0 : i32
      %dma_start3A_596 = arith.constant 0 : i32
      %dma_start3A_597 = tpu.memref_slice %arg6[%dma_start3A_593, %dma_start3A_595, %dma_start3A_596] : memref<10x128x64xf32, #tpu.memory_space<vmem>> -> memref<1x128x64xf32, #tpu.memory_space<vmem>>
      %dma_start3A_598 = tpu.memref_squeeze %dma_start3A_597 : memref<1x128x64xf32, #tpu.memory_space<vmem>> -> memref<128x64xf32, #tpu.memory_space<vmem>>
      %dma_start3A_599 = arith.constant 0 : i32
      %dma_start3A_600 = tpu.memref_slice %arg4[%add3A_592, %dma_start3A_599] : memref<819200x64xf32, #tpu.memory_space<hbm>> -> memref<128x64xf32, #tpu.memory_space<hbm>>
      %dma_start3A_601 = tpu.memref_slice %arg8[%dma_start3A_594] : memref<10x!tpu.dma_semaphore, #tpu.memory_space<semaphore_mem>> -> memref<1x!tpu.dma_semaphore, #tpu.memory_space<semaphore_mem>>
      %dma_start3A_602 = tpu.memref_squeeze %dma_start3A_601 : memref<1x!tpu.dma_semaphore, #tpu.memory_space<semaphore_mem>> -> memref<!tpu.dma_semaphore, #tpu.memory_space<semaphore_mem>>
      %dma_start3A_603 = arith.constant 0 : i32
      %dma_start3A_604 = tpu.memref_slice %arg4[%add3A_592, %dma_start3A_603] : memref<819200x64xf32, #tpu.memory_space<hbm>> -> memref<128x64xf32, #tpu.memory_space<hbm>>
      %dma_start3A_605 = arith.constant 0 : i32
      %dma_start3A_606 = arith.constant 0 : i32
      %dma_start3A_607 = tpu.memref_slice %arg6[%dma_start3A_593, %dma_start3A_605, %dma_start3A_606] : memref<10x128x64xf32, #tpu.memory_space<vmem>> -> memref<1x128x64xf32, #tpu.memory_space<vmem>>
      %dma_start3A_608 = tpu.memref_squeeze %dma_start3A_607 : memref<1x128x64xf32, #tpu.memory_space<vmem>> -> memref<128x64xf32, #tpu.memory_space<vmem>>
      tpu.enqueue_dma source(%dma_start3A_608 : memref<128x64xf32, #tpu.memory_space<vmem>>) target(%dma_start3A_604 : memref<128x64xf32, #tpu.memory_space<hbm>>) target_semaphore(%dma_start3A_602 : memref<!tpu.dma_semaphore, #tpu.memory_space<semaphore_mem>>)
      %mul3A_609 = arith.constant 10 : i32
      %mul3A_610 = arith.muli %scan3A_323, %mul3A_609 : i32
      %add3A_611 = arith.constant 6 : i32
      %add3A_612 = arith.addi %mul3A_610, %add3A_611 : i32
      %add3A_613 = arith.constant 9 : i32
      %add3A_614 = arith.addi %add3A_612, %add3A_613 : i32
      %lt3A_615 = arith.constant 200 : i32
      %lt3A_616 = arith.cmpi slt, %add3A_614, %lt3A_615 : i32
      %convert_element_type3A_617 = arith.extui %lt3A_616 : i1 to i32
      %cond3A_618 = arith.constant 0 : i32
      %cond3A_619 = arith.cmpi ne, %convert_element_type3A_617, %cond3A_618 : i32
      scf.if %cond3A_619 {
        %gt3A = arith.constant 0 : i32
        %gt3A_801 = arith.cmpi sgt, %add3A_612, %gt3A : i32
        %convert_element_type3A_802 = arith.extui %gt3A_801 : i1 to i32
        %cond3A_803 = arith.constant 0 : i32
        %cond3A_804 = arith.cmpi ne, %convert_element_type3A_802, %cond3A_803 : i32
        scf.if %cond3A_804 {
          %dma_wait3A_821 = arith.constant 5 : i32
          %dma_wait3A_822 = arith.constant 5 : i32
          %dma_wait3A_823 = arith.constant 0 : i32
          %dma_wait3A_824 = arith.constant 0 : i32
          %dma_wait3A_825 = tpu.memref_slice %arg6[%dma_wait3A_821, %dma_wait3A_823, %dma_wait3A_824] : memref<10x128x64xf32, #tpu.memory_space<vmem>> -> memref<1x128x64xf32, #tpu.memory_space<vmem>>
          %dma_wait3A_826 = tpu.memref_squeeze %dma_wait3A_825 : memref<1x128x64xf32, #tpu.memory_space<vmem>> -> memref<128x64xf32, #tpu.memory_space<vmem>>
          %dma_wait3A_827 = arith.constant 0 : i32
          %dma_wait3A_828 = arith.constant 0 : i32
          %dma_wait3A_829 = tpu.memref_slice %arg4[%dma_wait3A_827, %dma_wait3A_828] : memref<819200x64xf32, #tpu.memory_space<hbm>> -> memref<128x64xf32, #tpu.memory_space<hbm>>
          %dma_wait3A_830 = tpu.memref_slice %arg8[%dma_wait3A_822] : memref<10x!tpu.dma_semaphore, #tpu.memory_space<semaphore_mem>> -> memref<1x!tpu.dma_semaphore, #tpu.memory_space<semaphore_mem>>
          %dma_wait3A_831 = tpu.memref_squeeze %dma_wait3A_830 : memref<1x!tpu.dma_semaphore, #tpu.memory_space<semaphore_mem>> -> memref<!tpu.dma_semaphore, #tpu.memory_space<semaphore_mem>>
          %dma_wait3A_832 = arith.constant 0 : i32
          %dma_wait3A_833 = arith.constant 0 : i32
          %dma_wait3A_834 = tpu.memref_slice %arg4[%dma_wait3A_832, %dma_wait3A_833] : memref<819200x64xf32, #tpu.memory_space<hbm>> -> memref<128x64xf32, #tpu.memory_space<hbm>>
          %dma_wait3A_835 = arith.constant 0 : i32
          %dma_wait3A_836 = arith.constant 0 : i32
          %dma_wait3A_837 = tpu.memref_slice %arg6[%dma_wait3A_821, %dma_wait3A_835, %dma_wait3A_836] : memref<10x128x64xf32, #tpu.memory_space<vmem>> -> memref<1x128x64xf32, #tpu.memory_space<vmem>>
          %dma_wait3A_838 = tpu.memref_squeeze %dma_wait3A_837 : memref<1x128x64xf32, #tpu.memory_space<vmem>> -> memref<128x64xf32, #tpu.memory_space<vmem>>
          tpu.wait_dma2 semaphore(%dma_wait3A_831 : memref<!tpu.dma_semaphore, #tpu.memory_space<semaphore_mem>>) src(%dma_wait3A_838 : memref<128x64xf32, #tpu.memory_space<vmem>>) dst(%dma_wait3A_834 : memref<128x64xf32, #tpu.memory_space<hbm>>)
        } else {
        }
        %add3A_805 = arith.constant 9 : i32
        %add3A_806 = arith.addi %add3A_612, %add3A_805 : i32
        %dma_start3A_807 = arith.constant 5 : i32
        %dma_start3A_808 = arith.constant 5 : i32
        %dma_start3A_809 = arith.constant 0 : i32
        %dma_start3A_810 = arith.constant 0 : i32
        %dma_start3A_811 = tpu.memref_slice %arg6[%dma_start3A_807, %dma_start3A_809, %dma_start3A_810] : memref<10x128x64xf32, #tpu.memory_space<vmem>> -> memref<1x128x64xf32, #tpu.memory_space<vmem>>
        %dma_start3A_812 = tpu.memref_squeeze %dma_start3A_811 : memref<1x128x64xf32, #tpu.memory_space<vmem>> -> memref<128x64xf32, #tpu.memory_space<vmem>>
        %dma_start3A_813 = arith.constant 0 : i32
        %dma_start3A_814 = tpu.memref_slice %arg5[%add3A_806, %dma_start3A_813] : memref<200x128xi32, #tpu.memory_space<vmem>> -> memref<1x128xi32, #tpu.memory_space<vmem>>
        %dma_start3A_815 = tpu.memref_squeeze %dma_start3A_814 : memref<1x128xi32, #tpu.memory_space<vmem>> -> memref<128xi32, #tpu.memory_space<vmem>>
        %dma_start3A_816 = arith.constant 0 : i32
        %dma_start3A_817 = arith.constant 0 : i32
        %dma_start3A_818 = tpu.memref_slice %arg2[%dma_start3A_816, %dma_start3A_817] : memref<1000000x64xf32, #tpu.memory_space<hbm>> -> memref<1000000x64xf32, #tpu.memory_space<hbm>>
        %dma_start3A_819 = tpu.memref_slice %arg7[%dma_start3A_808] : memref<10x!tpu.dma_semaphore, #tpu.memory_space<semaphore_mem>> -> memref<1x!tpu.dma_semaphore, #tpu.memory_space<semaphore_mem>>
        %dma_start3A_820 = tpu.memref_squeeze %dma_start3A_819 : memref<1x!tpu.dma_semaphore, #tpu.memory_space<semaphore_mem>> -> memref<!tpu.dma_semaphore, #tpu.memory_space<semaphore_mem>>
        tpu.enqueue_indirect_dma source(%dma_start3A_818 : memref<1000000x64xf32, #tpu.memory_space<hbm>>) target(%dma_start3A_812 : memref<128x64xf32, #tpu.memory_space<vmem>>) offsets(%dma_start3A_815 : memref<128xi32, #tpu.memory_space<vmem>>) semaphore(%dma_start3A_820 : memref<!tpu.dma_semaphore, #tpu.memory_space<semaphore_mem>>)
      } else {
      }
      %dma_wait3A_620 = arith.constant 6 : i32
      %dma_wait3A_621 = arith.constant 6 : i32
      %dma_wait3A_622 = arith.constant 0 : i32
      %dma_wait3A_623 = arith.constant 0 : i32
      %dma_wait3A_624 = tpu.memref_slice %arg6[%dma_wait3A_620, %dma_wait3A_622, %dma_wait3A_623] : memref<10x128x64xf32, #tpu.memory_space<vmem>> -> memref<1x128x64xf32, #tpu.memory_space<vmem>>
      %dma_wait3A_625 = tpu.memref_squeeze %dma_wait3A_624 : memref<1x128x64xf32, #tpu.memory_space<vmem>> -> memref<128x64xf32, #tpu.memory_space<vmem>>
      %dma_wait3A_626 = arith.constant 0 : i32
      %dma_wait3A_627 = arith.constant 0 : i32
      %dma_wait3A_628 = tpu.memref_slice %arg4[%dma_wait3A_626, %dma_wait3A_627] : memref<819200x64xf32, #tpu.memory_space<hbm>> -> memref<128x64xf32, #tpu.memory_space<hbm>>
      %dma_wait3A_629 = tpu.memref_slice %arg7[%dma_wait3A_621] : memref<10x!tpu.dma_semaphore, #tpu.memory_space<semaphore_mem>> -> memref<1x!tpu.dma_semaphore, #tpu.memory_space<semaphore_mem>>
      %dma_wait3A_630 = tpu.memref_squeeze %dma_wait3A_629 : memref<1x!tpu.dma_semaphore, #tpu.memory_space<semaphore_mem>> -> memref<!tpu.dma_semaphore, #tpu.memory_space<semaphore_mem>>
      %dma_wait3A_631 = arith.constant 0 : i32
      %dma_wait3A_632 = arith.constant 0 : i32
      %dma_wait3A_633 = tpu.memref_slice %arg6[%dma_wait3A_620, %dma_wait3A_631, %dma_wait3A_632] : memref<10x128x64xf32, #tpu.memory_space<vmem>> -> memref<1x128x64xf32, #tpu.memory_space<vmem>>
      %dma_wait3A_634 = tpu.memref_squeeze %dma_wait3A_633 : memref<1x128x64xf32, #tpu.memory_space<vmem>> -> memref<128x64xf32, #tpu.memory_space<vmem>>
      %dma_wait3A_635 = arith.constant 0 : i32
      %dma_wait3A_636 = arith.constant 0 : i32
      %dma_wait3A_637 = tpu.memref_slice %arg4[%dma_wait3A_635, %dma_wait3A_636] : memref<819200x64xf32, #tpu.memory_space<hbm>> -> memref<128x64xf32, #tpu.memory_space<hbm>>
      tpu.wait_dma2 semaphore(%dma_wait3A_630 : memref<!tpu.dma_semaphore, #tpu.memory_space<semaphore_mem>>) src(%dma_wait3A_637 : memref<128x64xf32, #tpu.memory_space<hbm>>) dst(%dma_wait3A_634 : memref<128x64xf32, #tpu.memory_space<vmem>>)
      %mul3A_638 = arith.constant 128 : i32
      %mul3A_639 = arith.muli %add3A_612, %mul3A_638 : i32
      %add3A_640 = arith.addi %mul3A_2, %mul3A_639 : i32
      %dma_start3A_641 = arith.constant 6 : i32
      %dma_start3A_642 = arith.constant 6 : i32
      %dma_start3A_643 = arith.constant 0 : i32
      %dma_start3A_644 = arith.constant 0 : i32
      %dma_start3A_645 = tpu.memref_slice %arg6[%dma_start3A_641, %dma_start3A_643, %dma_start3A_644] : memref<10x128x64xf32, #tpu.memory_space<vmem>> -> memref<1x128x64xf32, #tpu.memory_space<vmem>>
      %dma_start3A_646 = tpu.memref_squeeze %dma_start3A_645 : memref<1x128x64xf32, #tpu.memory_space<vmem>> -> memref<128x64xf32, #tpu.memory_space<vmem>>
      %dma_start3A_647 = arith.constant 0 : i32
      %dma_start3A_648 = tpu.memref_slice %arg4[%add3A_640, %dma_start3A_647] : memref<819200x64xf32, #tpu.memory_space<hbm>> -> memref<128x64xf32, #tpu.memory_space<hbm>>
      %dma_start3A_649 = tpu.memref_slice %arg8[%dma_start3A_642] : memref<10x!tpu.dma_semaphore, #tpu.memory_space<semaphore_mem>> -> memref<1x!tpu.dma_semaphore, #tpu.memory_space<semaphore_mem>>
      %dma_start3A_650 = tpu.memref_squeeze %dma_start3A_649 : memref<1x!tpu.dma_semaphore, #tpu.memory_space<semaphore_mem>> -> memref<!tpu.dma_semaphore, #tpu.memory_space<semaphore_mem>>
      %dma_start3A_651 = arith.constant 0 : i32
      %dma_start3A_652 = tpu.memref_slice %arg4[%add3A_640, %dma_start3A_651] : memref<819200x64xf32, #tpu.memory_space<hbm>> -> memref<128x64xf32, #tpu.memory_space<hbm>>
      %dma_start3A_653 = arith.constant 0 : i32
      %dma_start3A_654 = arith.constant 0 : i32
      %dma_start3A_655 = tpu.memref_slice %arg6[%dma_start3A_641, %dma_start3A_653, %dma_start3A_654] : memref<10x128x64xf32, #tpu.memory_space<vmem>> -> memref<1x128x64xf32, #tpu.memory_space<vmem>>
      %dma_start3A_656 = tpu.memref_squeeze %dma_start3A_655 : memref<1x128x64xf32, #tpu.memory_space<vmem>> -> memref<128x64xf32, #tpu.memory_space<vmem>>
      tpu.enqueue_dma source(%dma_start3A_656 : memref<128x64xf32, #tpu.memory_space<vmem>>) target(%dma_start3A_652 : memref<128x64xf32, #tpu.memory_space<hbm>>) target_semaphore(%dma_start3A_650 : memref<!tpu.dma_semaphore, #tpu.memory_space<semaphore_mem>>)
      %mul3A_657 = arith.constant 10 : i32
      %mul3A_658 = arith.muli %scan3A_323, %mul3A_657 : i32
      %add3A_659 = arith.constant 7 : i32
      %add3A_660 = arith.addi %mul3A_658, %add3A_659 : i32
      %add3A_661 = arith.constant 9 : i32
      %add3A_662 = arith.addi %add3A_660, %add3A_661 : i32
      %lt3A_663 = arith.constant 200 : i32
      %lt3A_664 = arith.cmpi slt, %add3A_662, %lt3A_663 : i32
      %convert_element_type3A_665 = arith.extui %lt3A_664 : i1 to i32
      %cond3A_666 = arith.constant 0 : i32
      %cond3A_667 = arith.cmpi ne, %convert_element_type3A_665, %cond3A_666 : i32
      scf.if %cond3A_667 {
        %gt3A = arith.constant 0 : i32
        %gt3A_801 = arith.cmpi sgt, %add3A_660, %gt3A : i32
        %convert_element_type3A_802 = arith.extui %gt3A_801 : i1 to i32
        %cond3A_803 = arith.constant 0 : i32
        %cond3A_804 = arith.cmpi ne, %convert_element_type3A_802, %cond3A_803 : i32
        scf.if %cond3A_804 {
          %dma_wait3A_821 = arith.constant 6 : i32
          %dma_wait3A_822 = arith.constant 6 : i32
          %dma_wait3A_823 = arith.constant 0 : i32
          %dma_wait3A_824 = arith.constant 0 : i32
          %dma_wait3A_825 = tpu.memref_slice %arg6[%dma_wait3A_821, %dma_wait3A_823, %dma_wait3A_824] : memref<10x128x64xf32, #tpu.memory_space<vmem>> -> memref<1x128x64xf32, #tpu.memory_space<vmem>>
          %dma_wait3A_826 = tpu.memref_squeeze %dma_wait3A_825 : memref<1x128x64xf32, #tpu.memory_space<vmem>> -> memref<128x64xf32, #tpu.memory_space<vmem>>
          %dma_wait3A_827 = arith.constant 0 : i32
          %dma_wait3A_828 = arith.constant 0 : i32
          %dma_wait3A_829 = tpu.memref_slice %arg4[%dma_wait3A_827, %dma_wait3A_828] : memref<819200x64xf32, #tpu.memory_space<hbm>> -> memref<128x64xf32, #tpu.memory_space<hbm>>
          %dma_wait3A_830 = tpu.memref_slice %arg8[%dma_wait3A_822] : memref<10x!tpu.dma_semaphore, #tpu.memory_space<semaphore_mem>> -> memref<1x!tpu.dma_semaphore, #tpu.memory_space<semaphore_mem>>
          %dma_wait3A_831 = tpu.memref_squeeze %dma_wait3A_830 : memref<1x!tpu.dma_semaphore, #tpu.memory_space<semaphore_mem>> -> memref<!tpu.dma_semaphore, #tpu.memory_space<semaphore_mem>>
          %dma_wait3A_832 = arith.constant 0 : i32
          %dma_wait3A_833 = arith.constant 0 : i32
          %dma_wait3A_834 = tpu.memref_slice %arg4[%dma_wait3A_832, %dma_wait3A_833] : memref<819200x64xf32, #tpu.memory_space<hbm>> -> memref<128x64xf32, #tpu.memory_space<hbm>>
          %dma_wait3A_835 = arith.constant 0 : i32
          %dma_wait3A_836 = arith.constant 0 : i32
          %dma_wait3A_837 = tpu.memref_slice %arg6[%dma_wait3A_821, %dma_wait3A_835, %dma_wait3A_836] : memref<10x128x64xf32, #tpu.memory_space<vmem>> -> memref<1x128x64xf32, #tpu.memory_space<vmem>>
          %dma_wait3A_838 = tpu.memref_squeeze %dma_wait3A_837 : memref<1x128x64xf32, #tpu.memory_space<vmem>> -> memref<128x64xf32, #tpu.memory_space<vmem>>
          tpu.wait_dma2 semaphore(%dma_wait3A_831 : memref<!tpu.dma_semaphore, #tpu.memory_space<semaphore_mem>>) src(%dma_wait3A_838 : memref<128x64xf32, #tpu.memory_space<vmem>>) dst(%dma_wait3A_834 : memref<128x64xf32, #tpu.memory_space<hbm>>)
        } else {
        }
        %add3A_805 = arith.constant 9 : i32
        %add3A_806 = arith.addi %add3A_660, %add3A_805 : i32
        %dma_start3A_807 = arith.constant 6 : i32
        %dma_start3A_808 = arith.constant 6 : i32
        %dma_start3A_809 = arith.constant 0 : i32
        %dma_start3A_810 = arith.constant 0 : i32
        %dma_start3A_811 = tpu.memref_slice %arg6[%dma_start3A_807, %dma_start3A_809, %dma_start3A_810] : memref<10x128x64xf32, #tpu.memory_space<vmem>> -> memref<1x128x64xf32, #tpu.memory_space<vmem>>
        %dma_start3A_812 = tpu.memref_squeeze %dma_start3A_811 : memref<1x128x64xf32, #tpu.memory_space<vmem>> -> memref<128x64xf32, #tpu.memory_space<vmem>>
        %dma_start3A_813 = arith.constant 0 : i32
        %dma_start3A_814 = tpu.memref_slice %arg5[%add3A_806, %dma_start3A_813] : memref<200x128xi32, #tpu.memory_space<vmem>> -> memref<1x128xi32, #tpu.memory_space<vmem>>
        %dma_start3A_815 = tpu.memref_squeeze %dma_start3A_814 : memref<1x128xi32, #tpu.memory_space<vmem>> -> memref<128xi32, #tpu.memory_space<vmem>>
        %dma_start3A_816 = arith.constant 0 : i32
        %dma_start3A_817 = arith.constant 0 : i32
        %dma_start3A_818 = tpu.memref_slice %arg2[%dma_start3A_816, %dma_start3A_817] : memref<1000000x64xf32, #tpu.memory_space<hbm>> -> memref<1000000x64xf32, #tpu.memory_space<hbm>>
        %dma_start3A_819 = tpu.memref_slice %arg7[%dma_start3A_808] : memref<10x!tpu.dma_semaphore, #tpu.memory_space<semaphore_mem>> -> memref<1x!tpu.dma_semaphore, #tpu.memory_space<semaphore_mem>>
        %dma_start3A_820 = tpu.memref_squeeze %dma_start3A_819 : memref<1x!tpu.dma_semaphore, #tpu.memory_space<semaphore_mem>> -> memref<!tpu.dma_semaphore, #tpu.memory_space<semaphore_mem>>
        tpu.enqueue_indirect_dma source(%dma_start3A_818 : memref<1000000x64xf32, #tpu.memory_space<hbm>>) target(%dma_start3A_812 : memref<128x64xf32, #tpu.memory_space<vmem>>) offsets(%dma_start3A_815 : memref<128xi32, #tpu.memory_space<vmem>>) semaphore(%dma_start3A_820 : memref<!tpu.dma_semaphore, #tpu.memory_space<semaphore_mem>>)
      } else {
      }
      %dma_wait3A_668 = arith.constant 7 : i32
      %dma_wait3A_669 = arith.constant 7 : i32
      %dma_wait3A_670 = arith.constant 0 : i32
      %dma_wait3A_671 = arith.constant 0 : i32
      %dma_wait3A_672 = tpu.memref_slice %arg6[%dma_wait3A_668, %dma_wait3A_670, %dma_wait3A_671] : memref<10x128x64xf32, #tpu.memory_space<vmem>> -> memref<1x128x64xf32, #tpu.memory_space<vmem>>
      %dma_wait3A_673 = tpu.memref_squeeze %dma_wait3A_672 : memref<1x128x64xf32, #tpu.memory_space<vmem>> -> memref<128x64xf32, #tpu.memory_space<vmem>>
      %dma_wait3A_674 = arith.constant 0 : i32
      %dma_wait3A_675 = arith.constant 0 : i32
      %dma_wait3A_676 = tpu.memref_slice %arg4[%dma_wait3A_674, %dma_wait3A_675] : memref<819200x64xf32, #tpu.memory_space<hbm>> -> memref<128x64xf32, #tpu.memory_space<hbm>>
      %dma_wait3A_677 = tpu.memref_slice %arg7[%dma_wait3A_669] : memref<10x!tpu.dma_semaphore, #tpu.memory_space<semaphore_mem>> -> memref<1x!tpu.dma_semaphore, #tpu.memory_space<semaphore_mem>>
      %dma_wait3A_678 = tpu.memref_squeeze %dma_wait3A_677 : memref<1x!tpu.dma_semaphore, #tpu.memory_space<semaphore_mem>> -> memref<!tpu.dma_semaphore, #tpu.memory_space<semaphore_mem>>
      %dma_wait3A_679 = arith.constant 0 : i32
      %dma_wait3A_680 = arith.constant 0 : i32
      %dma_wait3A_681 = tpu.memref_slice %arg6[%dma_wait3A_668, %dma_wait3A_679, %dma_wait3A_680] : memref<10x128x64xf32, #tpu.memory_space<vmem>> -> memref<1x128x64xf32, #tpu.memory_space<vmem>>
      %dma_wait3A_682 = tpu.memref_squeeze %dma_wait3A_681 : memref<1x128x64xf32, #tpu.memory_space<vmem>> -> memref<128x64xf32, #tpu.memory_space<vmem>>
      %dma_wait3A_683 = arith.constant 0 : i32
      %dma_wait3A_684 = arith.constant 0 : i32
      %dma_wait3A_685 = tpu.memref_slice %arg4[%dma_wait3A_683, %dma_wait3A_684] : memref<819200x64xf32, #tpu.memory_space<hbm>> -> memref<128x64xf32, #tpu.memory_space<hbm>>
      tpu.wait_dma2 semaphore(%dma_wait3A_678 : memref<!tpu.dma_semaphore, #tpu.memory_space<semaphore_mem>>) src(%dma_wait3A_685 : memref<128x64xf32, #tpu.memory_space<hbm>>) dst(%dma_wait3A_682 : memref<128x64xf32, #tpu.memory_space<vmem>>)
      %mul3A_686 = arith.constant 128 : i32
      %mul3A_687 = arith.muli %add3A_660, %mul3A_686 : i32
      %add3A_688 = arith.addi %mul3A_2, %mul3A_687 : i32
      %dma_start3A_689 = arith.constant 7 : i32
      %dma_start3A_690 = arith.constant 7 : i32
      %dma_start3A_691 = arith.constant 0 : i32
      %dma_start3A_692 = arith.constant 0 : i32
      %dma_start3A_693 = tpu.memref_slice %arg6[%dma_start3A_689, %dma_start3A_691, %dma_start3A_692] : memref<10x128x64xf32, #tpu.memory_space<vmem>> -> memref<1x128x64xf32, #tpu.memory_space<vmem>>
      %dma_start3A_694 = tpu.memref_squeeze %dma_start3A_693 : memref<1x128x64xf32, #tpu.memory_space<vmem>> -> memref<128x64xf32, #tpu.memory_space<vmem>>
      %dma_start3A_695 = arith.constant 0 : i32
      %dma_start3A_696 = tpu.memref_slice %arg4[%add3A_688, %dma_start3A_695] : memref<819200x64xf32, #tpu.memory_space<hbm>> -> memref<128x64xf32, #tpu.memory_space<hbm>>
      %dma_start3A_697 = tpu.memref_slice %arg8[%dma_start3A_690] : memref<10x!tpu.dma_semaphore, #tpu.memory_space<semaphore_mem>> -> memref<1x!tpu.dma_semaphore, #tpu.memory_space<semaphore_mem>>
      %dma_start3A_698 = tpu.memref_squeeze %dma_start3A_697 : memref<1x!tpu.dma_semaphore, #tpu.memory_space<semaphore_mem>> -> memref<!tpu.dma_semaphore, #tpu.memory_space<semaphore_mem>>
      %dma_start3A_699 = arith.constant 0 : i32
      %dma_start3A_700 = tpu.memref_slice %arg4[%add3A_688, %dma_start3A_699] : memref<819200x64xf32, #tpu.memory_space<hbm>> -> memref<128x64xf32, #tpu.memory_space<hbm>>
      %dma_start3A_701 = arith.constant 0 : i32
      %dma_start3A_702 = arith.constant 0 : i32
      %dma_start3A_703 = tpu.memref_slice %arg6[%dma_start3A_689, %dma_start3A_701, %dma_start3A_702] : memref<10x128x64xf32, #tpu.memory_space<vmem>> -> memref<1x128x64xf32, #tpu.memory_space<vmem>>
      %dma_start3A_704 = tpu.memref_squeeze %dma_start3A_703 : memref<1x128x64xf32, #tpu.memory_space<vmem>> -> memref<128x64xf32, #tpu.memory_space<vmem>>
      tpu.enqueue_dma source(%dma_start3A_704 : memref<128x64xf32, #tpu.memory_space<vmem>>) target(%dma_start3A_700 : memref<128x64xf32, #tpu.memory_space<hbm>>) target_semaphore(%dma_start3A_698 : memref<!tpu.dma_semaphore, #tpu.memory_space<semaphore_mem>>)
      %mul3A_705 = arith.constant 10 : i32
      %mul3A_706 = arith.muli %scan3A_323, %mul3A_705 : i32
      %add3A_707 = arith.constant 8 : i32
      %add3A_708 = arith.addi %mul3A_706, %add3A_707 : i32
      %add3A_709 = arith.constant 9 : i32
      %add3A_710 = arith.addi %add3A_708, %add3A_709 : i32
      %lt3A_711 = arith.constant 200 : i32
      %lt3A_712 = arith.cmpi slt, %add3A_710, %lt3A_711 : i32
      %convert_element_type3A_713 = arith.extui %lt3A_712 : i1 to i32
      %cond3A_714 = arith.constant 0 : i32
      %cond3A_715 = arith.cmpi ne, %convert_element_type3A_713, %cond3A_714 : i32
      scf.if %cond3A_715 {
        %gt3A = arith.constant 0 : i32
        %gt3A_801 = arith.cmpi sgt, %add3A_708, %gt3A : i32
        %convert_element_type3A_802 = arith.extui %gt3A_801 : i1 to i32
        %cond3A_803 = arith.constant 0 : i32
        %cond3A_804 = arith.cmpi ne, %convert_element_type3A_802, %cond3A_803 : i32
        scf.if %cond3A_804 {
          %dma_wait3A_821 = arith.constant 7 : i32
          %dma_wait3A_822 = arith.constant 7 : i32
          %dma_wait3A_823 = arith.constant 0 : i32
          %dma_wait3A_824 = arith.constant 0 : i32
          %dma_wait3A_825 = tpu.memref_slice %arg6[%dma_wait3A_821, %dma_wait3A_823, %dma_wait3A_824] : memref<10x128x64xf32, #tpu.memory_space<vmem>> -> memref<1x128x64xf32, #tpu.memory_space<vmem>>
          %dma_wait3A_826 = tpu.memref_squeeze %dma_wait3A_825 : memref<1x128x64xf32, #tpu.memory_space<vmem>> -> memref<128x64xf32, #tpu.memory_space<vmem>>
          %dma_wait3A_827 = arith.constant 0 : i32
          %dma_wait3A_828 = arith.constant 0 : i32
          %dma_wait3A_829 = tpu.memref_slice %arg4[%dma_wait3A_827, %dma_wait3A_828] : memref<819200x64xf32, #tpu.memory_space<hbm>> -> memref<128x64xf32, #tpu.memory_space<hbm>>
          %dma_wait3A_830 = tpu.memref_slice %arg8[%dma_wait3A_822] : memref<10x!tpu.dma_semaphore, #tpu.memory_space<semaphore_mem>> -> memref<1x!tpu.dma_semaphore, #tpu.memory_space<semaphore_mem>>
          %dma_wait3A_831 = tpu.memref_squeeze %dma_wait3A_830 : memref<1x!tpu.dma_semaphore, #tpu.memory_space<semaphore_mem>> -> memref<!tpu.dma_semaphore, #tpu.memory_space<semaphore_mem>>
          %dma_wait3A_832 = arith.constant 0 : i32
          %dma_wait3A_833 = arith.constant 0 : i32
          %dma_wait3A_834 = tpu.memref_slice %arg4[%dma_wait3A_832, %dma_wait3A_833] : memref<819200x64xf32, #tpu.memory_space<hbm>> -> memref<128x64xf32, #tpu.memory_space<hbm>>
          %dma_wait3A_835 = arith.constant 0 : i32
          %dma_wait3A_836 = arith.constant 0 : i32
          %dma_wait3A_837 = tpu.memref_slice %arg6[%dma_wait3A_821, %dma_wait3A_835, %dma_wait3A_836] : memref<10x128x64xf32, #tpu.memory_space<vmem>> -> memref<1x128x64xf32, #tpu.memory_space<vmem>>
          %dma_wait3A_838 = tpu.memref_squeeze %dma_wait3A_837 : memref<1x128x64xf32, #tpu.memory_space<vmem>> -> memref<128x64xf32, #tpu.memory_space<vmem>>
          tpu.wait_dma2 semaphore(%dma_wait3A_831 : memref<!tpu.dma_semaphore, #tpu.memory_space<semaphore_mem>>) src(%dma_wait3A_838 : memref<128x64xf32, #tpu.memory_space<vmem>>) dst(%dma_wait3A_834 : memref<128x64xf32, #tpu.memory_space<hbm>>)
        } else {
        }
        %add3A_805 = arith.constant 9 : i32
        %add3A_806 = arith.addi %add3A_708, %add3A_805 : i32
        %dma_start3A_807 = arith.constant 7 : i32
        %dma_start3A_808 = arith.constant 7 : i32
        %dma_start3A_809 = arith.constant 0 : i32
        %dma_start3A_810 = arith.constant 0 : i32
        %dma_start3A_811 = tpu.memref_slice %arg6[%dma_start3A_807, %dma_start3A_809, %dma_start3A_810] : memref<10x128x64xf32, #tpu.memory_space<vmem>> -> memref<1x128x64xf32, #tpu.memory_space<vmem>>
        %dma_start3A_812 = tpu.memref_squeeze %dma_start3A_811 : memref<1x128x64xf32, #tpu.memory_space<vmem>> -> memref<128x64xf32, #tpu.memory_space<vmem>>
        %dma_start3A_813 = arith.constant 0 : i32
        %dma_start3A_814 = tpu.memref_slice %arg5[%add3A_806, %dma_start3A_813] : memref<200x128xi32, #tpu.memory_space<vmem>> -> memref<1x128xi32, #tpu.memory_space<vmem>>
        %dma_start3A_815 = tpu.memref_squeeze %dma_start3A_814 : memref<1x128xi32, #tpu.memory_space<vmem>> -> memref<128xi32, #tpu.memory_space<vmem>>
        %dma_start3A_816 = arith.constant 0 : i32
        %dma_start3A_817 = arith.constant 0 : i32
        %dma_start3A_818 = tpu.memref_slice %arg2[%dma_start3A_816, %dma_start3A_817] : memref<1000000x64xf32, #tpu.memory_space<hbm>> -> memref<1000000x64xf32, #tpu.memory_space<hbm>>
        %dma_start3A_819 = tpu.memref_slice %arg7[%dma_start3A_808] : memref<10x!tpu.dma_semaphore, #tpu.memory_space<semaphore_mem>> -> memref<1x!tpu.dma_semaphore, #tpu.memory_space<semaphore_mem>>
        %dma_start3A_820 = tpu.memref_squeeze %dma_start3A_819 : memref<1x!tpu.dma_semaphore, #tpu.memory_space<semaphore_mem>> -> memref<!tpu.dma_semaphore, #tpu.memory_space<semaphore_mem>>
        tpu.enqueue_indirect_dma source(%dma_start3A_818 : memref<1000000x64xf32, #tpu.memory_space<hbm>>) target(%dma_start3A_812 : memref<128x64xf32, #tpu.memory_space<vmem>>) offsets(%dma_start3A_815 : memref<128xi32, #tpu.memory_space<vmem>>) semaphore(%dma_start3A_820 : memref<!tpu.dma_semaphore, #tpu.memory_space<semaphore_mem>>)
      } else {
      }
      %dma_wait3A_716 = arith.constant 8 : i32
      %dma_wait3A_717 = arith.constant 8 : i32
      %dma_wait3A_718 = arith.constant 0 : i32
      %dma_wait3A_719 = arith.constant 0 : i32
      %dma_wait3A_720 = tpu.memref_slice %arg6[%dma_wait3A_716, %dma_wait3A_718, %dma_wait3A_719] : memref<10x128x64xf32, #tpu.memory_space<vmem>> -> memref<1x128x64xf32, #tpu.memory_space<vmem>>
      %dma_wait3A_721 = tpu.memref_squeeze %dma_wait3A_720 : memref<1x128x64xf32, #tpu.memory_space<vmem>> -> memref<128x64xf32, #tpu.memory_space<vmem>>
      %dma_wait3A_722 = arith.constant 0 : i32
      %dma_wait3A_723 = arith.constant 0 : i32
      %dma_wait3A_724 = tpu.memref_slice %arg4[%dma_wait3A_722, %dma_wait3A_723] : memref<819200x64xf32, #tpu.memory_space<hbm>> -> memref<128x64xf32, #tpu.memory_space<hbm>>
      %dma_wait3A_725 = tpu.memref_slice %arg7[%dma_wait3A_717] : memref<10x!tpu.dma_semaphore, #tpu.memory_space<semaphore_mem>> -> memref<1x!tpu.dma_semaphore, #tpu.memory_space<semaphore_mem>>
      %dma_wait3A_726 = tpu.memref_squeeze %dma_wait3A_725 : memref<1x!tpu.dma_semaphore, #tpu.memory_space<semaphore_mem>> -> memref<!tpu.dma_semaphore, #tpu.memory_space<semaphore_mem>>
      %dma_wait3A_727 = arith.constant 0 : i32
      %dma_wait3A_728 = arith.constant 0 : i32
      %dma_wait3A_729 = tpu.memref_slice %arg6[%dma_wait3A_716, %dma_wait3A_727, %dma_wait3A_728] : memref<10x128x64xf32, #tpu.memory_space<vmem>> -> memref<1x128x64xf32, #tpu.memory_space<vmem>>
      %dma_wait3A_730 = tpu.memref_squeeze %dma_wait3A_729 : memref<1x128x64xf32, #tpu.memory_space<vmem>> -> memref<128x64xf32, #tpu.memory_space<vmem>>
      %dma_wait3A_731 = arith.constant 0 : i32
      %dma_wait3A_732 = arith.constant 0 : i32
      %dma_wait3A_733 = tpu.memref_slice %arg4[%dma_wait3A_731, %dma_wait3A_732] : memref<819200x64xf32, #tpu.memory_space<hbm>> -> memref<128x64xf32, #tpu.memory_space<hbm>>
      tpu.wait_dma2 semaphore(%dma_wait3A_726 : memref<!tpu.dma_semaphore, #tpu.memory_space<semaphore_mem>>) src(%dma_wait3A_733 : memref<128x64xf32, #tpu.memory_space<hbm>>) dst(%dma_wait3A_730 : memref<128x64xf32, #tpu.memory_space<vmem>>)
      %mul3A_734 = arith.constant 128 : i32
      %mul3A_735 = arith.muli %add3A_708, %mul3A_734 : i32
      %add3A_736 = arith.addi %mul3A_2, %mul3A_735 : i32
      %dma_start3A_737 = arith.constant 8 : i32
      %dma_start3A_738 = arith.constant 8 : i32
      %dma_start3A_739 = arith.constant 0 : i32
      %dma_start3A_740 = arith.constant 0 : i32
      %dma_start3A_741 = tpu.memref_slice %arg6[%dma_start3A_737, %dma_start3A_739, %dma_start3A_740] : memref<10x128x64xf32, #tpu.memory_space<vmem>> -> memref<1x128x64xf32, #tpu.memory_space<vmem>>
      %dma_start3A_742 = tpu.memref_squeeze %dma_start3A_741 : memref<1x128x64xf32, #tpu.memory_space<vmem>> -> memref<128x64xf32, #tpu.memory_space<vmem>>
      %dma_start3A_743 = arith.constant 0 : i32
      %dma_start3A_744 = tpu.memref_slice %arg4[%add3A_736, %dma_start3A_743] : memref<819200x64xf32, #tpu.memory_space<hbm>> -> memref<128x64xf32, #tpu.memory_space<hbm>>
      %dma_start3A_745 = tpu.memref_slice %arg8[%dma_start3A_738] : memref<10x!tpu.dma_semaphore, #tpu.memory_space<semaphore_mem>> -> memref<1x!tpu.dma_semaphore, #tpu.memory_space<semaphore_mem>>
      %dma_start3A_746 = tpu.memref_squeeze %dma_start3A_745 : memref<1x!tpu.dma_semaphore, #tpu.memory_space<semaphore_mem>> -> memref<!tpu.dma_semaphore, #tpu.memory_space<semaphore_mem>>
      %dma_start3A_747 = arith.constant 0 : i32
      %dma_start3A_748 = tpu.memref_slice %arg4[%add3A_736, %dma_start3A_747] : memref<819200x64xf32, #tpu.memory_space<hbm>> -> memref<128x64xf32, #tpu.memory_space<hbm>>
      %dma_start3A_749 = arith.constant 0 : i32
      %dma_start3A_750 = arith.constant 0 : i32
      %dma_start3A_751 = tpu.memref_slice %arg6[%dma_start3A_737, %dma_start3A_749, %dma_start3A_750] : memref<10x128x64xf32, #tpu.memory_space<vmem>> -> memref<1x128x64xf32, #tpu.memory_space<vmem>>
      %dma_start3A_752 = tpu.memref_squeeze %dma_start3A_751 : memref<1x128x64xf32, #tpu.memory_space<vmem>> -> memref<128x64xf32, #tpu.memory_space<vmem>>
      tpu.enqueue_dma source(%dma_start3A_752 : memref<128x64xf32, #tpu.memory_space<vmem>>) target(%dma_start3A_748 : memref<128x64xf32, #tpu.memory_space<hbm>>) target_semaphore(%dma_start3A_746 : memref<!tpu.dma_semaphore, #tpu.memory_space<semaphore_mem>>)
      %mul3A_753 = arith.constant 10 : i32
      %mul3A_754 = arith.muli %scan3A_323, %mul3A_753 : i32
      %add3A_755 = arith.constant 9 : i32
      %add3A_756 = arith.addi %mul3A_754, %add3A_755 : i32
      %add3A_757 = arith.constant 9 : i32
      %add3A_758 = arith.addi %add3A_756, %add3A_757 : i32
      %lt3A_759 = arith.constant 200 : i32
      %lt3A_760 = arith.cmpi slt, %add3A_758, %lt3A_759 : i32
      %convert_element_type3A_761 = arith.extui %lt3A_760 : i1 to i32
      %cond3A_762 = arith.constant 0 : i32
      %cond3A_763 = arith.cmpi ne, %convert_element_type3A_761, %cond3A_762 : i32
      scf.if %cond3A_763 {
        %gt3A = arith.constant 0 : i32
        %gt3A_801 = arith.cmpi sgt, %add3A_756, %gt3A : i32
        %convert_element_type3A_802 = arith.extui %gt3A_801 : i1 to i32
        %cond3A_803 = arith.constant 0 : i32
        %cond3A_804 = arith.cmpi ne, %convert_element_type3A_802, %cond3A_803 : i32
        scf.if %cond3A_804 {
          %dma_wait3A_821 = arith.constant 8 : i32
          %dma_wait3A_822 = arith.constant 8 : i32
          %dma_wait3A_823 = arith.constant 0 : i32
          %dma_wait3A_824 = arith.constant 0 : i32
          %dma_wait3A_825 = tpu.memref_slice %arg6[%dma_wait3A_821, %dma_wait3A_823, %dma_wait3A_824] : memref<10x128x64xf32, #tpu.memory_space<vmem>> -> memref<1x128x64xf32, #tpu.memory_space<vmem>>
          %dma_wait3A_826 = tpu.memref_squeeze %dma_wait3A_825 : memref<1x128x64xf32, #tpu.memory_space<vmem>> -> memref<128x64xf32, #tpu.memory_space<vmem>>
          %dma_wait3A_827 = arith.constant 0 : i32
          %dma_wait3A_828 = arith.constant 0 : i32
          %dma_wait3A_829 = tpu.memref_slice %arg4[%dma_wait3A_827, %dma_wait3A_828] : memref<819200x64xf32, #tpu.memory_space<hbm>> -> memref<128x64xf32, #tpu.memory_space<hbm>>
          %dma_wait3A_830 = tpu.memref_slice %arg8[%dma_wait3A_822] : memref<10x!tpu.dma_semaphore, #tpu.memory_space<semaphore_mem>> -> memref<1x!tpu.dma_semaphore, #tpu.memory_space<semaphore_mem>>
          %dma_wait3A_831 = tpu.memref_squeeze %dma_wait3A_830 : memref<1x!tpu.dma_semaphore, #tpu.memory_space<semaphore_mem>> -> memref<!tpu.dma_semaphore, #tpu.memory_space<semaphore_mem>>
          %dma_wait3A_832 = arith.constant 0 : i32
          %dma_wait3A_833 = arith.constant 0 : i32
          %dma_wait3A_834 = tpu.memref_slice %arg4[%dma_wait3A_832, %dma_wait3A_833] : memref<819200x64xf32, #tpu.memory_space<hbm>> -> memref<128x64xf32, #tpu.memory_space<hbm>>
          %dma_wait3A_835 = arith.constant 0 : i32
          %dma_wait3A_836 = arith.constant 0 : i32
          %dma_wait3A_837 = tpu.memref_slice %arg6[%dma_wait3A_821, %dma_wait3A_835, %dma_wait3A_836] : memref<10x128x64xf32, #tpu.memory_space<vmem>> -> memref<1x128x64xf32, #tpu.memory_space<vmem>>
          %dma_wait3A_838 = tpu.memref_squeeze %dma_wait3A_837 : memref<1x128x64xf32, #tpu.memory_space<vmem>> -> memref<128x64xf32, #tpu.memory_space<vmem>>
          tpu.wait_dma2 semaphore(%dma_wait3A_831 : memref<!tpu.dma_semaphore, #tpu.memory_space<semaphore_mem>>) src(%dma_wait3A_838 : memref<128x64xf32, #tpu.memory_space<vmem>>) dst(%dma_wait3A_834 : memref<128x64xf32, #tpu.memory_space<hbm>>)
        } else {
        }
        %add3A_805 = arith.constant 9 : i32
        %add3A_806 = arith.addi %add3A_756, %add3A_805 : i32
        %dma_start3A_807 = arith.constant 8 : i32
        %dma_start3A_808 = arith.constant 8 : i32
        %dma_start3A_809 = arith.constant 0 : i32
        %dma_start3A_810 = arith.constant 0 : i32
        %dma_start3A_811 = tpu.memref_slice %arg6[%dma_start3A_807, %dma_start3A_809, %dma_start3A_810] : memref<10x128x64xf32, #tpu.memory_space<vmem>> -> memref<1x128x64xf32, #tpu.memory_space<vmem>>
        %dma_start3A_812 = tpu.memref_squeeze %dma_start3A_811 : memref<1x128x64xf32, #tpu.memory_space<vmem>> -> memref<128x64xf32, #tpu.memory_space<vmem>>
        %dma_start3A_813 = arith.constant 0 : i32
        %dma_start3A_814 = tpu.memref_slice %arg5[%add3A_806, %dma_start3A_813] : memref<200x128xi32, #tpu.memory_space<vmem>> -> memref<1x128xi32, #tpu.memory_space<vmem>>
        %dma_start3A_815 = tpu.memref_squeeze %dma_start3A_814 : memref<1x128xi32, #tpu.memory_space<vmem>> -> memref<128xi32, #tpu.memory_space<vmem>>
        %dma_start3A_816 = arith.constant 0 : i32
        %dma_start3A_817 = arith.constant 0 : i32
        %dma_start3A_818 = tpu.memref_slice %arg2[%dma_start3A_816, %dma_start3A_817] : memref<1000000x64xf32, #tpu.memory_space<hbm>> -> memref<1000000x64xf32, #tpu.memory_space<hbm>>
        %dma_start3A_819 = tpu.memref_slice %arg7[%dma_start3A_808] : memref<10x!tpu.dma_semaphore, #tpu.memory_space<semaphore_mem>> -> memref<1x!tpu.dma_semaphore, #tpu.memory_space<semaphore_mem>>
        %dma_start3A_820 = tpu.memref_squeeze %dma_start3A_819 : memref<1x!tpu.dma_semaphore, #tpu.memory_space<semaphore_mem>> -> memref<!tpu.dma_semaphore, #tpu.memory_space<semaphore_mem>>
        tpu.enqueue_indirect_dma source(%dma_start3A_818 : memref<1000000x64xf32, #tpu.memory_space<hbm>>) target(%dma_start3A_812 : memref<128x64xf32, #tpu.memory_space<vmem>>) offsets(%dma_start3A_815 : memref<128xi32, #tpu.memory_space<vmem>>) semaphore(%dma_start3A_820 : memref<!tpu.dma_semaphore, #tpu.memory_space<semaphore_mem>>)
      } else {
      }
      %dma_wait3A_764 = arith.constant 9 : i32
      %dma_wait3A_765 = arith.constant 9 : i32
      %dma_wait3A_766 = arith.constant 0 : i32
      %dma_wait3A_767 = arith.constant 0 : i32
      %dma_wait3A_768 = tpu.memref_slice %arg6[%dma_wait3A_764, %dma_wait3A_766, %dma_wait3A_767] : memref<10x128x64xf32, #tpu.memory_space<vmem>> -> memref<1x128x64xf32, #tpu.memory_space<vmem>>
      %dma_wait3A_769 = tpu.memref_squeeze %dma_wait3A_768 : memref<1x128x64xf32, #tpu.memory_space<vmem>> -> memref<128x64xf32, #tpu.memory_space<vmem>>
      %dma_wait3A_770 = arith.constant 0 : i32
      %dma_wait3A_771 = arith.constant 0 : i32
      %dma_wait3A_772 = tpu.memref_slice %arg4[%dma_wait3A_770, %dma_wait3A_771] : memref<819200x64xf32, #tpu.memory_space<hbm>> -> memref<128x64xf32, #tpu.memory_space<hbm>>
      %dma_wait3A_773 = tpu.memref_slice %arg7[%dma_wait3A_765] : memref<10x!tpu.dma_semaphore, #tpu.memory_space<semaphore_mem>> -> memref<1x!tpu.dma_semaphore, #tpu.memory_space<semaphore_mem>>
      %dma_wait3A_774 = tpu.memref_squeeze %dma_wait3A_773 : memref<1x!tpu.dma_semaphore, #tpu.memory_space<semaphore_mem>> -> memref<!tpu.dma_semaphore, #tpu.memory_space<semaphore_mem>>
      %dma_wait3A_775 = arith.constant 0 : i32
      %dma_wait3A_776 = arith.constant 0 : i32
      %dma_wait3A_777 = tpu.memref_slice %arg6[%dma_wait3A_764, %dma_wait3A_775, %dma_wait3A_776] : memref<10x128x64xf32, #tpu.memory_space<vmem>> -> memref<1x128x64xf32, #tpu.memory_space<vmem>>
      %dma_wait3A_778 = tpu.memref_squeeze %dma_wait3A_777 : memref<1x128x64xf32, #tpu.memory_space<vmem>> -> memref<128x64xf32, #tpu.memory_space<vmem>>
      %dma_wait3A_779 = arith.constant 0 : i32
      %dma_wait3A_780 = arith.constant 0 : i32
      %dma_wait3A_781 = tpu.memref_slice %arg4[%dma_wait3A_779, %dma_wait3A_780] : memref<819200x64xf32, #tpu.memory_space<hbm>> -> memref<128x64xf32, #tpu.memory_space<hbm>>
      tpu.wait_dma2 semaphore(%dma_wait3A_774 : memref<!tpu.dma_semaphore, #tpu.memory_space<semaphore_mem>>) src(%dma_wait3A_781 : memref<128x64xf32, #tpu.memory_space<hbm>>) dst(%dma_wait3A_778 : memref<128x64xf32, #tpu.memory_space<vmem>>)
      %mul3A_782 = arith.constant 128 : i32
      %mul3A_783 = arith.muli %add3A_756, %mul3A_782 : i32
      %add3A_784 = arith.addi %mul3A_2, %mul3A_783 : i32
      %dma_start3A_785 = arith.constant 9 : i32
      %dma_start3A_786 = arith.constant 9 : i32
      %dma_start3A_787 = arith.constant 0 : i32
      %dma_start3A_788 = arith.constant 0 : i32
      %dma_start3A_789 = tpu.memref_slice %arg6[%dma_start3A_785, %dma_start3A_787, %dma_start3A_788] : memref<10x128x64xf32, #tpu.memory_space<vmem>> -> memref<1x128x64xf32, #tpu.memory_space<vmem>>
      %dma_start3A_790 = tpu.memref_squeeze %dma_start3A_789 : memref<1x128x64xf32, #tpu.memory_space<vmem>> -> memref<128x64xf32, #tpu.memory_space<vmem>>
      %dma_start3A_791 = arith.constant 0 : i32
      %dma_start3A_792 = tpu.memref_slice %arg4[%add3A_784, %dma_start3A_791] : memref<819200x64xf32, #tpu.memory_space<hbm>> -> memref<128x64xf32, #tpu.memory_space<hbm>>
      %dma_start3A_793 = tpu.memref_slice %arg8[%dma_start3A_786] : memref<10x!tpu.dma_semaphore, #tpu.memory_space<semaphore_mem>> -> memref<1x!tpu.dma_semaphore, #tpu.memory_space<semaphore_mem>>
      %dma_start3A_794 = tpu.memref_squeeze %dma_start3A_793 : memref<1x!tpu.dma_semaphore, #tpu.memory_space<semaphore_mem>> -> memref<!tpu.dma_semaphore, #tpu.memory_space<semaphore_mem>>
      %dma_start3A_795 = arith.constant 0 : i32
      %dma_start3A_796 = tpu.memref_slice %arg4[%add3A_784, %dma_start3A_795] : memref<819200x64xf32, #tpu.memory_space<hbm>> -> memref<128x64xf32, #tpu.memory_space<hbm>>
      %dma_start3A_797 = arith.constant 0 : i32
      %dma_start3A_798 = arith.constant 0 : i32
      %dma_start3A_799 = tpu.memref_slice %arg6[%dma_start3A_785, %dma_start3A_797, %dma_start3A_798] : memref<10x128x64xf32, #tpu.memory_space<vmem>> -> memref<1x128x64xf32, #tpu.memory_space<vmem>>
      %dma_start3A_800 = tpu.memref_squeeze %dma_start3A_799 : memref<1x128x64xf32, #tpu.memory_space<vmem>> -> memref<128x64xf32, #tpu.memory_space<vmem>>
      tpu.enqueue_dma source(%dma_start3A_800 : memref<128x64xf32, #tpu.memory_space<vmem>>) target(%dma_start3A_796 : memref<128x64xf32, #tpu.memory_space<hbm>>) target_semaphore(%dma_start3A_794 : memref<!tpu.dma_semaphore, #tpu.memory_space<semaphore_mem>>)
    }
    %scan3A_143 = arith.constant 20 : i32
    %dma_wait3A = arith.constant 0 : i32
    %dma_wait3A_144 = arith.constant 0 : i32
    %dma_wait3A_145 = arith.constant 0 : i32
    %dma_wait3A_146 = arith.constant 0 : i32
    %dma_wait3A_147 = tpu.memref_slice %arg6[%dma_wait3A, %dma_wait3A_145, %dma_wait3A_146] : memref<10x128x64xf32, #tpu.memory_space<vmem>> -> memref<1x128x64xf32, #tpu.memory_space<vmem>>
    %dma_wait3A_148 = tpu.memref_squeeze %dma_wait3A_147 : memref<1x128x64xf32, #tpu.memory_space<vmem>> -> memref<128x64xf32, #tpu.memory_space<vmem>>
    %dma_wait3A_149 = arith.constant 0 : i32
    %dma_wait3A_150 = arith.constant 0 : i32
    %dma_wait3A_151 = tpu.memref_slice %arg4[%dma_wait3A_149, %dma_wait3A_150] : memref<819200x64xf32, #tpu.memory_space<hbm>> -> memref<128x64xf32, #tpu.memory_space<hbm>>
    %dma_wait3A_152 = tpu.memref_slice %arg8[%dma_wait3A_144] : memref<10x!tpu.dma_semaphore, #tpu.memory_space<semaphore_mem>> -> memref<1x!tpu.dma_semaphore, #tpu.memory_space<semaphore_mem>>
    %dma_wait3A_153 = tpu.memref_squeeze %dma_wait3A_152 : memref<1x!tpu.dma_semaphore, #tpu.memory_space<semaphore_mem>> -> memref<!tpu.dma_semaphore, #tpu.memory_space<semaphore_mem>>
    %dma_wait3A_154 = arith.constant 0 : i32
    %dma_wait3A_155 = arith.constant 0 : i32
    %dma_wait3A_156 = tpu.memref_slice %arg4[%dma_wait3A_154, %dma_wait3A_155] : memref<819200x64xf32, #tpu.memory_space<hbm>> -> memref<128x64xf32, #tpu.memory_space<hbm>>
    %dma_wait3A_157 = arith.constant 0 : i32
    %dma_wait3A_158 = arith.constant 0 : i32
    %dma_wait3A_159 = tpu.memref_slice %arg6[%dma_wait3A, %dma_wait3A_157, %dma_wait3A_158] : memref<10x128x64xf32, #tpu.memory_space<vmem>> -> memref<1x128x64xf32, #tpu.memory_space<vmem>>
    %dma_wait3A_160 = tpu.memref_squeeze %dma_wait3A_159 : memref<1x128x64xf32, #tpu.memory_space<vmem>> -> memref<128x64xf32, #tpu.memory_space<vmem>>
    tpu.wait_dma2 semaphore(%dma_wait3A_153 : memref<!tpu.dma_semaphore, #tpu.memory_space<semaphore_mem>>) src(%dma_wait3A_160 : memref<128x64xf32, #tpu.memory_space<vmem>>) dst(%dma_wait3A_156 : memref<128x64xf32, #tpu.memory_space<hbm>>)
    %dma_wait3A_161 = arith.constant 1 : i32
    %dma_wait3A_162 = arith.constant 1 : i32
    %dma_wait3A_163 = arith.constant 0 : i32
    %dma_wait3A_164 = arith.constant 0 : i32
    %dma_wait3A_165 = tpu.memref_slice %arg6[%dma_wait3A_161, %dma_wait3A_163, %dma_wait3A_164] : memref<10x128x64xf32, #tpu.memory_space<vmem>> -> memref<1x128x64xf32, #tpu.memory_space<vmem>>
    %dma_wait3A_166 = tpu.memref_squeeze %dma_wait3A_165 : memref<1x128x64xf32, #tpu.memory_space<vmem>> -> memref<128x64xf32, #tpu.memory_space<vmem>>
    %dma_wait3A_167 = arith.constant 0 : i32
    %dma_wait3A_168 = arith.constant 0 : i32
    %dma_wait3A_169 = tpu.memref_slice %arg4[%dma_wait3A_167, %dma_wait3A_168] : memref<819200x64xf32, #tpu.memory_space<hbm>> -> memref<128x64xf32, #tpu.memory_space<hbm>>
    %dma_wait3A_170 = tpu.memref_slice %arg8[%dma_wait3A_162] : memref<10x!tpu.dma_semaphore, #tpu.memory_space<semaphore_mem>> -> memref<1x!tpu.dma_semaphore, #tpu.memory_space<semaphore_mem>>
    %dma_wait3A_171 = tpu.memref_squeeze %dma_wait3A_170 : memref<1x!tpu.dma_semaphore, #tpu.memory_space<semaphore_mem>> -> memref<!tpu.dma_semaphore, #tpu.memory_space<semaphore_mem>>
    %dma_wait3A_172 = arith.constant 0 : i32
    %dma_wait3A_173 = arith.constant 0 : i32
    %dma_wait3A_174 = tpu.memref_slice %arg4[%dma_wait3A_172, %dma_wait3A_173] : memref<819200x64xf32, #tpu.memory_space<hbm>> -> memref<128x64xf32, #tpu.memory_space<hbm>>
    %dma_wait3A_175 = arith.constant 0 : i32
    %dma_wait3A_176 = arith.constant 0 : i32
    %dma_wait3A_177 = tpu.memref_slice %arg6[%dma_wait3A_161, %dma_wait3A_175, %dma_wait3A_176] : memref<10x128x64xf32, #tpu.memory_space<vmem>> -> memref<1x128x64xf32, #tpu.memory_space<vmem>>
    %dma_wait3A_178 = tpu.memref_squeeze %dma_wait3A_177 : memref<1x128x64xf32, #tpu.memory_space<vmem>> -> memref<128x64xf32, #tpu.memory_space<vmem>>
    tpu.wait_dma2 semaphore(%dma_wait3A_171 : memref<!tpu.dma_semaphore, #tpu.memory_space<semaphore_mem>>) src(%dma_wait3A_178 : memref<128x64xf32, #tpu.memory_space<vmem>>) dst(%dma_wait3A_174 : memref<128x64xf32, #tpu.memory_space<hbm>>)
    %dma_wait3A_179 = arith.constant 2 : i32
    %dma_wait3A_180 = arith.constant 2 : i32
    %dma_wait3A_181 = arith.constant 0 : i32
    %dma_wait3A_182 = arith.constant 0 : i32
    %dma_wait3A_183 = tpu.memref_slice %arg6[%dma_wait3A_179, %dma_wait3A_181, %dma_wait3A_182] : memref<10x128x64xf32, #tpu.memory_space<vmem>> -> memref<1x128x64xf32, #tpu.memory_space<vmem>>
    %dma_wait3A_184 = tpu.memref_squeeze %dma_wait3A_183 : memref<1x128x64xf32, #tpu.memory_space<vmem>> -> memref<128x64xf32, #tpu.memory_space<vmem>>
    %dma_wait3A_185 = arith.constant 0 : i32
    %dma_wait3A_186 = arith.constant 0 : i32
    %dma_wait3A_187 = tpu.memref_slice %arg4[%dma_wait3A_185, %dma_wait3A_186] : memref<819200x64xf32, #tpu.memory_space<hbm>> -> memref<128x64xf32, #tpu.memory_space<hbm>>
    %dma_wait3A_188 = tpu.memref_slice %arg8[%dma_wait3A_180] : memref<10x!tpu.dma_semaphore, #tpu.memory_space<semaphore_mem>> -> memref<1x!tpu.dma_semaphore, #tpu.memory_space<semaphore_mem>>
    %dma_wait3A_189 = tpu.memref_squeeze %dma_wait3A_188 : memref<1x!tpu.dma_semaphore, #tpu.memory_space<semaphore_mem>> -> memref<!tpu.dma_semaphore, #tpu.memory_space<semaphore_mem>>
    %dma_wait3A_190 = arith.constant 0 : i32
    %dma_wait3A_191 = arith.constant 0 : i32
    %dma_wait3A_192 = tpu.memref_slice %arg4[%dma_wait3A_190, %dma_wait3A_191] : memref<819200x64xf32, #tpu.memory_space<hbm>> -> memref<128x64xf32, #tpu.memory_space<hbm>>
    %dma_wait3A_193 = arith.constant 0 : i32
    %dma_wait3A_194 = arith.constant 0 : i32
    %dma_wait3A_195 = tpu.memref_slice %arg6[%dma_wait3A_179, %dma_wait3A_193, %dma_wait3A_194] : memref<10x128x64xf32, #tpu.memory_space<vmem>> -> memref<1x128x64xf32, #tpu.memory_space<vmem>>
    %dma_wait3A_196 = tpu.memref_squeeze %dma_wait3A_195 : memref<1x128x64xf32, #tpu.memory_space<vmem>> -> memref<128x64xf32, #tpu.memory_space<vmem>>
    tpu.wait_dma2 semaphore(%dma_wait3A_189 : memref<!tpu.dma_semaphore, #tpu.memory_space<semaphore_mem>>) src(%dma_wait3A_196 : memref<128x64xf32, #tpu.memory_space<vmem>>) dst(%dma_wait3A_192 : memref<128x64xf32, #tpu.memory_space<hbm>>)
    %dma_wait3A_197 = arith.constant 3 : i32
    %dma_wait3A_198 = arith.constant 3 : i32
    %dma_wait3A_199 = arith.constant 0 : i32
    %dma_wait3A_200 = arith.constant 0 : i32
    %dma_wait3A_201 = tpu.memref_slice %arg6[%dma_wait3A_197, %dma_wait3A_199, %dma_wait3A_200] : memref<10x128x64xf32, #tpu.memory_space<vmem>> -> memref<1x128x64xf32, #tpu.memory_space<vmem>>
    %dma_wait3A_202 = tpu.memref_squeeze %dma_wait3A_201 : memref<1x128x64xf32, #tpu.memory_space<vmem>> -> memref<128x64xf32, #tpu.memory_space<vmem>>
    %dma_wait3A_203 = arith.constant 0 : i32
    %dma_wait3A_204 = arith.constant 0 : i32
    %dma_wait3A_205 = tpu.memref_slice %arg4[%dma_wait3A_203, %dma_wait3A_204] : memref<819200x64xf32, #tpu.memory_space<hbm>> -> memref<128x64xf32, #tpu.memory_space<hbm>>
    %dma_wait3A_206 = tpu.memref_slice %arg8[%dma_wait3A_198] : memref<10x!tpu.dma_semaphore, #tpu.memory_space<semaphore_mem>> -> memref<1x!tpu.dma_semaphore, #tpu.memory_space<semaphore_mem>>
    %dma_wait3A_207 = tpu.memref_squeeze %dma_wait3A_206 : memref<1x!tpu.dma_semaphore, #tpu.memory_space<semaphore_mem>> -> memref<!tpu.dma_semaphore, #tpu.memory_space<semaphore_mem>>
    %dma_wait3A_208 = arith.constant 0 : i32
    %dma_wait3A_209 = arith.constant 0 : i32
    %dma_wait3A_210 = tpu.memref_slice %arg4[%dma_wait3A_208, %dma_wait3A_209] : memref<819200x64xf32, #tpu.memory_space<hbm>> -> memref<128x64xf32, #tpu.memory_space<hbm>>
    %dma_wait3A_211 = arith.constant 0 : i32
    %dma_wait3A_212 = arith.constant 0 : i32
    %dma_wait3A_213 = tpu.memref_slice %arg6[%dma_wait3A_197, %dma_wait3A_211, %dma_wait3A_212] : memref<10x128x64xf32, #tpu.memory_space<vmem>> -> memref<1x128x64xf32, #tpu.memory_space<vmem>>
    %dma_wait3A_214 = tpu.memref_squeeze %dma_wait3A_213 : memref<1x128x64xf32, #tpu.memory_space<vmem>> -> memref<128x64xf32, #tpu.memory_space<vmem>>
    tpu.wait_dma2 semaphore(%dma_wait3A_207 : memref<!tpu.dma_semaphore, #tpu.memory_space<semaphore_mem>>) src(%dma_wait3A_214 : memref<128x64xf32, #tpu.memory_space<vmem>>) dst(%dma_wait3A_210 : memref<128x64xf32, #tpu.memory_space<hbm>>)
    %dma_wait3A_215 = arith.constant 4 : i32
    %dma_wait3A_216 = arith.constant 4 : i32
    %dma_wait3A_217 = arith.constant 0 : i32
    %dma_wait3A_218 = arith.constant 0 : i32
    %dma_wait3A_219 = tpu.memref_slice %arg6[%dma_wait3A_215, %dma_wait3A_217, %dma_wait3A_218] : memref<10x128x64xf32, #tpu.memory_space<vmem>> -> memref<1x128x64xf32, #tpu.memory_space<vmem>>
    %dma_wait3A_220 = tpu.memref_squeeze %dma_wait3A_219 : memref<1x128x64xf32, #tpu.memory_space<vmem>> -> memref<128x64xf32, #tpu.memory_space<vmem>>
    %dma_wait3A_221 = arith.constant 0 : i32
    %dma_wait3A_222 = arith.constant 0 : i32
    %dma_wait3A_223 = tpu.memref_slice %arg4[%dma_wait3A_221, %dma_wait3A_222] : memref<819200x64xf32, #tpu.memory_space<hbm>> -> memref<128x64xf32, #tpu.memory_space<hbm>>
    %dma_wait3A_224 = tpu.memref_slice %arg8[%dma_wait3A_216] : memref<10x!tpu.dma_semaphore, #tpu.memory_space<semaphore_mem>> -> memref<1x!tpu.dma_semaphore, #tpu.memory_space<semaphore_mem>>
    %dma_wait3A_225 = tpu.memref_squeeze %dma_wait3A_224 : memref<1x!tpu.dma_semaphore, #tpu.memory_space<semaphore_mem>> -> memref<!tpu.dma_semaphore, #tpu.memory_space<semaphore_mem>>
    %dma_wait3A_226 = arith.constant 0 : i32
    %dma_wait3A_227 = arith.constant 0 : i32
    %dma_wait3A_228 = tpu.memref_slice %arg4[%dma_wait3A_226, %dma_wait3A_227] : memref<819200x64xf32, #tpu.memory_space<hbm>> -> memref<128x64xf32, #tpu.memory_space<hbm>>
    %dma_wait3A_229 = arith.constant 0 : i32
    %dma_wait3A_230 = arith.constant 0 : i32
    %dma_wait3A_231 = tpu.memref_slice %arg6[%dma_wait3A_215, %dma_wait3A_229, %dma_wait3A_230] : memref<10x128x64xf32, #tpu.memory_space<vmem>> -> memref<1x128x64xf32, #tpu.memory_space<vmem>>
    %dma_wait3A_232 = tpu.memref_squeeze %dma_wait3A_231 : memref<1x128x64xf32, #tpu.memory_space<vmem>> -> memref<128x64xf32, #tpu.memory_space<vmem>>
    tpu.wait_dma2 semaphore(%dma_wait3A_225 : memref<!tpu.dma_semaphore, #tpu.memory_space<semaphore_mem>>) src(%dma_wait3A_232 : memref<128x64xf32, #tpu.memory_space<vmem>>) dst(%dma_wait3A_228 : memref<128x64xf32, #tpu.memory_space<hbm>>)
    %dma_wait3A_233 = arith.constant 5 : i32
    %dma_wait3A_234 = arith.constant 5 : i32
    %dma_wait3A_235 = arith.constant 0 : i32
    %dma_wait3A_236 = arith.constant 0 : i32
    %dma_wait3A_237 = tpu.memref_slice %arg6[%dma_wait3A_233, %dma_wait3A_235, %dma_wait3A_236] : memref<10x128x64xf32, #tpu.memory_space<vmem>> -> memref<1x128x64xf32, #tpu.memory_space<vmem>>
    %dma_wait3A_238 = tpu.memref_squeeze %dma_wait3A_237 : memref<1x128x64xf32, #tpu.memory_space<vmem>> -> memref<128x64xf32, #tpu.memory_space<vmem>>
    %dma_wait3A_239 = arith.constant 0 : i32
    %dma_wait3A_240 = arith.constant 0 : i32
    %dma_wait3A_241 = tpu.memref_slice %arg4[%dma_wait3A_239, %dma_wait3A_240] : memref<819200x64xf32, #tpu.memory_space<hbm>> -> memref<128x64xf32, #tpu.memory_space<hbm>>
    %dma_wait3A_242 = tpu.memref_slice %arg8[%dma_wait3A_234] : memref<10x!tpu.dma_semaphore, #tpu.memory_space<semaphore_mem>> -> memref<1x!tpu.dma_semaphore, #tpu.memory_space<semaphore_mem>>
    %dma_wait3A_243 = tpu.memref_squeeze %dma_wait3A_242 : memref<1x!tpu.dma_semaphore, #tpu.memory_space<semaphore_mem>> -> memref<!tpu.dma_semaphore, #tpu.memory_space<semaphore_mem>>
    %dma_wait3A_244 = arith.constant 0 : i32
    %dma_wait3A_245 = arith.constant 0 : i32
    %dma_wait3A_246 = tpu.memref_slice %arg4[%dma_wait3A_244, %dma_wait3A_245] : memref<819200x64xf32, #tpu.memory_space<hbm>> -> memref<128x64xf32, #tpu.memory_space<hbm>>
    %dma_wait3A_247 = arith.constant 0 : i32
    %dma_wait3A_248 = arith.constant 0 : i32
    %dma_wait3A_249 = tpu.memref_slice %arg6[%dma_wait3A_233, %dma_wait3A_247, %dma_wait3A_248] : memref<10x128x64xf32, #tpu.memory_space<vmem>> -> memref<1x128x64xf32, #tpu.memory_space<vmem>>
    %dma_wait3A_250 = tpu.memref_squeeze %dma_wait3A_249 : memref<1x128x64xf32, #tpu.memory_space<vmem>> -> memref<128x64xf32, #tpu.memory_space<vmem>>
    tpu.wait_dma2 semaphore(%dma_wait3A_243 : memref<!tpu.dma_semaphore, #tpu.memory_space<semaphore_mem>>) src(%dma_wait3A_250 : memref<128x64xf32, #tpu.memory_space<vmem>>) dst(%dma_wait3A_246 : memref<128x64xf32, #tpu.memory_space<hbm>>)
    %dma_wait3A_251 = arith.constant 6 : i32
    %dma_wait3A_252 = arith.constant 6 : i32
    %dma_wait3A_253 = arith.constant 0 : i32
    %dma_wait3A_254 = arith.constant 0 : i32
    %dma_wait3A_255 = tpu.memref_slice %arg6[%dma_wait3A_251, %dma_wait3A_253, %dma_wait3A_254] : memref<10x128x64xf32, #tpu.memory_space<vmem>> -> memref<1x128x64xf32, #tpu.memory_space<vmem>>
    %dma_wait3A_256 = tpu.memref_squeeze %dma_wait3A_255 : memref<1x128x64xf32, #tpu.memory_space<vmem>> -> memref<128x64xf32, #tpu.memory_space<vmem>>
    %dma_wait3A_257 = arith.constant 0 : i32
    %dma_wait3A_258 = arith.constant 0 : i32
    %dma_wait3A_259 = tpu.memref_slice %arg4[%dma_wait3A_257, %dma_wait3A_258] : memref<819200x64xf32, #tpu.memory_space<hbm>> -> memref<128x64xf32, #tpu.memory_space<hbm>>
    %dma_wait3A_260 = tpu.memref_slice %arg8[%dma_wait3A_252] : memref<10x!tpu.dma_semaphore, #tpu.memory_space<semaphore_mem>> -> memref<1x!tpu.dma_semaphore, #tpu.memory_space<semaphore_mem>>
    %dma_wait3A_261 = tpu.memref_squeeze %dma_wait3A_260 : memref<1x!tpu.dma_semaphore, #tpu.memory_space<semaphore_mem>> -> memref<!tpu.dma_semaphore, #tpu.memory_space<semaphore_mem>>
    %dma_wait3A_262 = arith.constant 0 : i32
    %dma_wait3A_263 = arith.constant 0 : i32
    %dma_wait3A_264 = tpu.memref_slice %arg4[%dma_wait3A_262, %dma_wait3A_263] : memref<819200x64xf32, #tpu.memory_space<hbm>> -> memref<128x64xf32, #tpu.memory_space<hbm>>
    %dma_wait3A_265 = arith.constant 0 : i32
    %dma_wait3A_266 = arith.constant 0 : i32
    %dma_wait3A_267 = tpu.memref_slice %arg6[%dma_wait3A_251, %dma_wait3A_265, %dma_wait3A_266] : memref<10x128x64xf32, #tpu.memory_space<vmem>> -> memref<1x128x64xf32, #tpu.memory_space<vmem>>
    %dma_wait3A_268 = tpu.memref_squeeze %dma_wait3A_267 : memref<1x128x64xf32, #tpu.memory_space<vmem>> -> memref<128x64xf32, #tpu.memory_space<vmem>>
    tpu.wait_dma2 semaphore(%dma_wait3A_261 : memref<!tpu.dma_semaphore, #tpu.memory_space<semaphore_mem>>) src(%dma_wait3A_268 : memref<128x64xf32, #tpu.memory_space<vmem>>) dst(%dma_wait3A_264 : memref<128x64xf32, #tpu.memory_space<hbm>>)
    %dma_wait3A_269 = arith.constant 7 : i32
    %dma_wait3A_270 = arith.constant 7 : i32
    %dma_wait3A_271 = arith.constant 0 : i32
    %dma_wait3A_272 = arith.constant 0 : i32
    %dma_wait3A_273 = tpu.memref_slice %arg6[%dma_wait3A_269, %dma_wait3A_271, %dma_wait3A_272] : memref<10x128x64xf32, #tpu.memory_space<vmem>> -> memref<1x128x64xf32, #tpu.memory_space<vmem>>
    %dma_wait3A_274 = tpu.memref_squeeze %dma_wait3A_273 : memref<1x128x64xf32, #tpu.memory_space<vmem>> -> memref<128x64xf32, #tpu.memory_space<vmem>>
    %dma_wait3A_275 = arith.constant 0 : i32
    %dma_wait3A_276 = arith.constant 0 : i32
    %dma_wait3A_277 = tpu.memref_slice %arg4[%dma_wait3A_275, %dma_wait3A_276] : memref<819200x64xf32, #tpu.memory_space<hbm>> -> memref<128x64xf32, #tpu.memory_space<hbm>>
    %dma_wait3A_278 = tpu.memref_slice %arg8[%dma_wait3A_270] : memref<10x!tpu.dma_semaphore, #tpu.memory_space<semaphore_mem>> -> memref<1x!tpu.dma_semaphore, #tpu.memory_space<semaphore_mem>>
    %dma_wait3A_279 = tpu.memref_squeeze %dma_wait3A_278 : memref<1x!tpu.dma_semaphore, #tpu.memory_space<semaphore_mem>> -> memref<!tpu.dma_semaphore, #tpu.memory_space<semaphore_mem>>
    %dma_wait3A_280 = arith.constant 0 : i32
    %dma_wait3A_281 = arith.constant 0 : i32
    %dma_wait3A_282 = tpu.memref_slice %arg4[%dma_wait3A_280, %dma_wait3A_281] : memref<819200x64xf32, #tpu.memory_space<hbm>> -> memref<128x64xf32, #tpu.memory_space<hbm>>
    %dma_wait3A_283 = arith.constant 0 : i32
    %dma_wait3A_284 = arith.constant 0 : i32
    %dma_wait3A_285 = tpu.memref_slice %arg6[%dma_wait3A_269, %dma_wait3A_283, %dma_wait3A_284] : memref<10x128x64xf32, #tpu.memory_space<vmem>> -> memref<1x128x64xf32, #tpu.memory_space<vmem>>
    %dma_wait3A_286 = tpu.memref_squeeze %dma_wait3A_285 : memref<1x128x64xf32, #tpu.memory_space<vmem>> -> memref<128x64xf32, #tpu.memory_space<vmem>>
    tpu.wait_dma2 semaphore(%dma_wait3A_279 : memref<!tpu.dma_semaphore, #tpu.memory_space<semaphore_mem>>) src(%dma_wait3A_286 : memref<128x64xf32, #tpu.memory_space<vmem>>) dst(%dma_wait3A_282 : memref<128x64xf32, #tpu.memory_space<hbm>>)
    %dma_wait3A_287 = arith.constant 8 : i32
    %dma_wait3A_288 = arith.constant 8 : i32
    %dma_wait3A_289 = arith.constant 0 : i32
    %dma_wait3A_290 = arith.constant 0 : i32
    %dma_wait3A_291 = tpu.memref_slice %arg6[%dma_wait3A_287, %dma_wait3A_289, %dma_wait3A_290] : memref<10x128x64xf32, #tpu.memory_space<vmem>> -> memref<1x128x64xf32, #tpu.memory_space<vmem>>
    %dma_wait3A_292 = tpu.memref_squeeze %dma_wait3A_291 : memref<1x128x64xf32, #tpu.memory_space<vmem>> -> memref<128x64xf32, #tpu.memory_space<vmem>>
    %dma_wait3A_293 = arith.constant 0 : i32
    %dma_wait3A_294 = arith.constant 0 : i32
    %dma_wait3A_295 = tpu.memref_slice %arg4[%dma_wait3A_293, %dma_wait3A_294] : memref<819200x64xf32, #tpu.memory_space<hbm>> -> memref<128x64xf32, #tpu.memory_space<hbm>>
    %dma_wait3A_296 = tpu.memref_slice %arg8[%dma_wait3A_288] : memref<10x!tpu.dma_semaphore, #tpu.memory_space<semaphore_mem>> -> memref<1x!tpu.dma_semaphore, #tpu.memory_space<semaphore_mem>>
    %dma_wait3A_297 = tpu.memref_squeeze %dma_wait3A_296 : memref<1x!tpu.dma_semaphore, #tpu.memory_space<semaphore_mem>> -> memref<!tpu.dma_semaphore, #tpu.memory_space<semaphore_mem>>
    %dma_wait3A_298 = arith.constant 0 : i32
    %dma_wait3A_299 = arith.constant 0 : i32
    %dma_wait3A_300 = tpu.memref_slice %arg4[%dma_wait3A_298, %dma_wait3A_299] : memref<819200x64xf32, #tpu.memory_space<hbm>> -> memref<128x64xf32, #tpu.memory_space<hbm>>
    %dma_wait3A_301 = arith.constant 0 : i32
    %dma_wait3A_302 = arith.constant 0 : i32
    %dma_wait3A_303 = tpu.memref_slice %arg6[%dma_wait3A_287, %dma_wait3A_301, %dma_wait3A_302] : memref<10x128x64xf32, #tpu.memory_space<vmem>> -> memref<1x128x64xf32, #tpu.memory_space<vmem>>
    %dma_wait3A_304 = tpu.memref_squeeze %dma_wait3A_303 : memref<1x128x64xf32, #tpu.memory_space<vmem>> -> memref<128x64xf32, #tpu.memory_space<vmem>>
    tpu.wait_dma2 semaphore(%dma_wait3A_297 : memref<!tpu.dma_semaphore, #tpu.memory_space<semaphore_mem>>) src(%dma_wait3A_304 : memref<128x64xf32, #tpu.memory_space<vmem>>) dst(%dma_wait3A_300 : memref<128x64xf32, #tpu.memory_space<hbm>>)
    %dma_wait3A_305 = arith.constant 9 : i32
    %dma_wait3A_306 = arith.constant 9 : i32
    %dma_wait3A_307 = arith.constant 0 : i32
    %dma_wait3A_308 = arith.constant 0 : i32
    %dma_wait3A_309 = tpu.memref_slice %arg6[%dma_wait3A_305, %dma_wait3A_307, %dma_wait3A_308] : memref<10x128x64xf32, #tpu.memory_space<vmem>> -> memref<1x128x64xf32, #tpu.memory_space<vmem>>
    %dma_wait3A_310 = tpu.memref_squeeze %dma_wait3A_309 : memref<1x128x64xf32, #tpu.memory_space<vmem>> -> memref<128x64xf32, #tpu.memory_space<vmem>>
    %dma_wait3A_311 = arith.constant 0 : i32
    %dma_wait3A_312 = arith.constant 0 : i32
    %dma_wait3A_313 = tpu.memref_slice %arg4[%dma_wait3A_311, %dma_wait3A_312] : memref<819200x64xf32, #tpu.memory_space<hbm>> -> memref<128x64xf32, #tpu.memory_space<hbm>>
    %dma_wait3A_314 = tpu.memref_slice %arg8[%dma_wait3A_306] : memref<10x!tpu.dma_semaphore, #tpu.memory_space<semaphore_mem>> -> memref<1x!tpu.dma_semaphore, #tpu.memory_space<semaphore_mem>>
    %dma_wait3A_315 = tpu.memref_squeeze %dma_wait3A_314 : memref<1x!tpu.dma_semaphore, #tpu.memory_space<semaphore_mem>> -> memref<!tpu.dma_semaphore, #tpu.memory_space<semaphore_mem>>
    %dma_wait3A_316 = arith.constant 0 : i32
    %dma_wait3A_317 = arith.constant 0 : i32
    %dma_wait3A_318 = tpu.memref_slice %arg4[%dma_wait3A_316, %dma_wait3A_317] : memref<819200x64xf32, #tpu.memory_space<hbm>> -> memref<128x64xf32, #tpu.memory_space<hbm>>
    %dma_wait3A_319 = arith.constant 0 : i32
    %dma_wait3A_320 = arith.constant 0 : i32
    %dma_wait3A_321 = tpu.memref_slice %arg6[%dma_wait3A_305, %dma_wait3A_319, %dma_wait3A_320] : memref<10x128x64xf32, #tpu.memory_space<vmem>> -> memref<1x128x64xf32, #tpu.memory_space<vmem>>
    %dma_wait3A_322 = tpu.memref_squeeze %dma_wait3A_321 : memref<1x128x64xf32, #tpu.memory_space<vmem>> -> memref<128x64xf32, #tpu.memory_space<vmem>>
    tpu.wait_dma2 semaphore(%dma_wait3A_315 : memref<!tpu.dma_semaphore, #tpu.memory_space<semaphore_mem>>) src(%dma_wait3A_322 : memref<128x64xf32, #tpu.memory_space<vmem>>) dst(%dma_wait3A_318 : memref<128x64xf32, #tpu.memory_space<hbm>>)
    return
  }
}

</mosaic_0001>

<sc_bundles>
// kernel: kernel.3.cloned.1.call-start
scs
__scs_entry_jumppad:
0x0: {  	(pc) =	sbr.rel $0x88, $3  }
0x1: {  	(tag) =	ssettag $0x0;
	lr =	simm.s32 $0x1  }
0x2: {  	[smem:$0x3F9F] =	sst lr;
	_ =	strace $0xD0000000  }
0x3: {  	_ = 	snop  }
0x4: {  	_ = 	snop  }
0x5: {  	_ = 	snop  }
0x6: {  	_ = 	snop  }
0x7: {  	_ = 	snop  }
__scs_overlays_trampoline_lowered:
0x8: {  	[smem:$0x3FAE] =	sst s0  }
0x9: {  	[smem:$0x3FAF] =	sst s1  }
0xa: {  	[smem:$0x3FB0] =	sst s2  }
0xb: {  	[smem:$0x3FB1] =	sst s3  }
0xc: {  	[smem:$0x3FB2] =	sst s4  }
0xd: {  	[smem:$0x3FB3] =	sst s5  }
0xe: {  	[smem:$0x3FB4] =	sst s6  }
0xf: {  	[smem:$0x3FB5] =	sst s7  }
0x10: {  	[smem:$0x3FB6] =	sst s8  }
0x11: {  	[smem:$0x3FB7] =	sst s9;
	s0 =	simm.s32 @!p0 $0x0  }
0x12: {  	s1 =	sld [smem:$0x3F9D];
	s0 =	simm.s32 @p0 $0x1  }
0x13: {  	[smem:$0x3FB8] =	sst s0;
	s0 =	simm.s32 @!p1 $0x0  }
0x14: {  	s2 =	sld [smem:$0x3F9C];
	s0 =	simm.s32 @p1 $0x1  }
0x15: {  	[smem:$0x3FB9] =	sst s0;
	s0 =	simm.s32 @!p2 $0x0  }
0x16: {  	s3 =	sld [smem:$0x3FDB];
	s0 =	simm.s32 @p2 $0x1  }
0x17: {  	s4 =	simm.s32 $0x1BF5;
	[smem:$0x3FBB] =	sst s0  }
0x18: {  	s0 =	sld [smem:$0x3F9E];
	_ =	swait.ge [sflag:s4], $0x0  }
0x19: {  	s7 =	sld [smem:$0x3F9F]  }
0x1a: {  	s8 =	sadd.s32 $0xFFFFE003, lr  }
0x1b: {  	s9 =	sadd.s32 $0xFFFFFEF7, lr;
	s5 =	simm.s32 $0xFFFFFFFF;
	p2 =	slt.u32 s8, $0xFFFFF086  }
0x1c: {  	p1 =	slt.u32 s9, $0xF7A;
	s5 =	simm.s32 @!p2 $0x0  }
0x1d: {  	s5 =	simm.s32 @p1 $0x1;
	p0 =	seq.s32 s7, s2  }
0x1e: {  	s7 =	smul.u32 @!p0 $0xF7A, s2;
	p2 =	seq.s32 @!p0 s5, $0x0  }
0x1f: {  	s9 =	smul.u32 $0xF7A, s1;
	s8 =	simm.s32 @!p0 $0x1BF5;
	p2 =	por !p2, p0  }
0x20: {  	[sflag:s8] =	ssyncset.s32 @!p0 $0xFFFFF086;
	s6 =	sadd.s32 @!p0 s3, s7;
	s7 =	simm.s32 @!p0 $0x108  }
0x21: {  	s3 =	sadd.s32 s3, s9;
	s6 =	sadd.s32 @!p0 $0x88, s6;
	s7 =	simm.s32 @p2 $0x1082  }
0x22: {  	[simem:s7], [sflag:s8] =	dma.local @!p0 [hbm:s6], $0xF7A  }
0x23: {  	s9 =	sor.u32 $0xD0000000, s2;
	s6 =	simm.s32 $0x108;
	_ =	swait.ge @!p0 [sflag:s8], $0x0  }
0x24: {  	s3 =	sadd.s32 $0x88, s3;
	s6 =	simm.s32 @!p1 $0x1082;
	[sflag:s4] =	ssyncset.s32 $0xFFFFF086  }
0x25: {  	[simem:s6], [sflag:s4] =	dma.local [hbm:s3], $0xF7A  }
0x26: {  	[smem:$0x3F9F] =	sst s1;
	(tag) =	ssettag s2;
	_ =	strace s9  }
0x27: {  	s1 =	sld [smem:$0x3FAF]  }
0x28: {  	s2 =	sld [smem:$0x3FB0]  }
0x29: {  	s4 =	sld [smem:$0x3FB2]  }
0x2a: {  	p0 =	seq.s32 s5, $0x0;
	s5 =	sld [smem:$0x3FB3]  }
0x2b: {  	s6 =	sld [smem:$0x3FB4]  }
0x2c: {  	s7 =	sld [smem:$0x3FB5]  }
0x2d: {  	s3 =	simm.s32 $0x108;
	s8 =	sld [smem:$0x3FB6]  }
0x2e: {  	s3 =	simm.s32 @!p0 $0x1082;
	s9 =	sld [smem:$0x3FB7]  }
0x2f: {  	lr =	sadd.s32 s0, s3;
	s0 =	sld [smem:$0x3FAE]  }
0x30: {  	s3 =	sld [smem:$0x3FB1]  }
0x31: {  	[smem:$0x3FBA] =	sst s10  }
0x32: {  	s10 =	sld [smem:$0x3FB8];
	_ =	sdelay $0x3  }
0x33: {  	p0 =	seq.s32 s10, $0x1;
	s10 =	sld [smem:$0x3FBA];
	_ =	sdelay $0x3  }
0x34: {  	[smem:$0x3FBA] =	sst s10  }
0x35: {  	s10 =	sld [smem:$0x3FB9];
	_ =	sdelay $0x3  }
0x36: {  	p1 =	seq.s32 s10, $0x1;
	s10 =	sld [smem:$0x3FBA];
	_ =	sdelay $0x3  }
0x37: {  	[smem:$0x3FBA] =	sst s10  }
0x38: {  	s10 =	sld [smem:$0x3FBB]  }
0x39: {  	_ = 	snop;
	(pc) =	sbr.ind lr, $3  }
0x3a: {  	_ = 	snop  }
0x3b: {  	_ = 	snop  }
0x3c: {  	p2 =	seq.s32 s10, $0x1;
	s10 =	sld [smem:$0x3FBA]  }
0x3d: {  	_ =	shalt  }
0x3e: {  	_ =	shalt  }
0x3f: {  	_ =	shalt  }
0x40: {  	_ =	shalt  }
0x41: {  	_ =	shalt  }
0x42: {  	_ =	shalt  }
0x43: {  	_ =	shalt  }
0x44: {  	_ =	shalt  }
0x45: {  	_ =	shalt  }
0x46: {  	_ =	shalt  }
0x47: {  	_ =	shalt  }
0x48: {  	_ =	shalt  }
0x49: {  	_ =	shalt  }
0x4a: {  	_ =	shalt  }
0x4b: {  	_ =	shalt  }
0x4c: {  	_ =	shalt  }
0x4d: {  	_ =	shalt  }
0x4e: {  	_ =	shalt  }
0x4f: {  	_ =	shalt  }
0x50: {  	_ =	shalt  }
0x51: {  	_ =	shalt  }
0x52: {  	_ =	shalt  }
0x53: {  	_ =	shalt  }
0x54: {  	_ =	shalt  }
0x55: {  	_ =	shalt  }
0x56: {  	_ =	shalt  }
0x57: {  	_ =	shalt  }
0x58: {  	_ =	shalt  }
0x59: {  	_ =	shalt  }
0x5a: {  	_ =	shalt  }
0x5b: {  	_ =	shalt  }
0x5c: {  	_ =	shalt  }
0x5d: {  	_ =	shalt  }
0x5e: {  	_ =	shalt  }
0x5f: {  	_ =	shalt  }
0x60: {  	_ =	shalt  }
0x61: {  	_ =	shalt  }
0x62: {  	_ =	shalt  }
0x63: {  	_ =	shalt  }
0x64: {  	_ =	shalt  }
0x65: {  	_ =	shalt  }
0x66: {  	_ =	shalt  }
0x67: {  	_ =	shalt  }
0x68: {  	_ =	shalt  }
0x69: {  	_ =	shalt  }
0x6a: {  	_ =	shalt  }
0x6b: {  	_ =	shalt  }
0x6c: {  	_ =	shalt  }
0x6d: {  	_ =	shalt  }
0x6e: {  	_ =	shalt  }
0x6f: {  	_ =	shalt  }
0x70: {  	_ =	shalt  }
0x71: {  	_ =	shalt  }
0x72: {  	_ =	shalt  }
0x73: {  	_ =	shalt  }
0x74: {  	_ =	shalt  }
0x75: {  	_ =	shalt  }
0x76: {  	_ =	shalt  }
0x77: {  	_ =	shalt  }
0x78: {  	_ =	shalt  }
0x79: {  	_ =	shalt  }
0x7a: {  	_ =	shalt  }
0x7b: {  	_ =	shalt  }
0x7c: {  	_ =	shalt  }
0x7d: {  	_ =	shalt  }
0x7e: {  	_ =	shalt  }
0x7f: {  	_ =	shalt  }
0x80: {  	_ =	shalt  }
0x81: {  	_ =	shalt  }
0x82: {  	_ =	shalt  }
0x83: {  	_ =	shalt  }
0x84: {  	_ =	shalt  }
0x85: {  	_ =	shalt  }
0x86: {  	_ =	shalt  }
0x87: {  	_ =	shalt  }
.Lfunc_end0:
.L_simem_size_0:
called_computation.1_lowered:
.L_overlay_start_0:
0x88: {  	s2 =	sld [smem:$0x3FD9]  }
0x89: {  	s3 =	sld [smem:$0x3FFE];
	_ =	sdelay $0x1  }
0x8a: {  	s1 =	srdreg.scid  }
0x8b: {  	s0 =	sand.u32 $0x1, s1  }
0x8c: {  	s17 =	sshll.u32 s0, $0xA;
	s2 =	sadd.s32 s3, s2  }
0x8d: {  	s2 =	sadd.s32 s2, s17  }
0x8e: {  	[smem:$0x3FC6] =	sst s2  }
0x8f: {  	_ = 	snop  }
0x90: {  	s2 =	sld [smem:$0x3FD0];
	(tm) =	ssettm $0x1  }
0x91: {  	s18 =	sld [smem:$0x3FFB];
	_ =	sdelay $0x3  }
0x92: {  	_ =	strace s18  }
0x93: {  	s3 =	sld [smem:$0x3FFC];
	_ =	sdelay $0x3  }
0x94: {  	_ =	strace s3  }
0x95: {  	s3 =	sld [smem:$0x3FFD];
	_ =	sdelay $0x3  }
0x96: {  	_ =	strace s3  }
0x97: {  	_ =	strace $0x8FFFFFFF  }
0x98: {  	s19 =	sld [smem:$0x3FDB];
	_ =	sdelay $0x1  }
0x99: {  	s4 =	simm.s32 $_scs_section_size  }
0x9a: {  	s5 =	simm.s32 $_size__tile_overlayer_lowered;
	s6 =	simm.s32 $_tile_overlayer_lowered  }
0x9b: {  	s22 =	simm.s32 $0x1BFF;
	s21 =	sshll.u32 s6, $0x1;
	s3 =	sadd.s32 s4, s19  }
0x9c: {  	s7 =	simm.s32 $0x0;
	s20 =	sshll.u32 s5, $0x1;
	s5 =	sadd.s32 s21, s3  }
0x9d: {  	[timem:s7], [sflag:s22] =	dma.local [hbm:s5], s20  }
0x9e: {  	_ =	swait.ge [sflag:s22], s20  }
0x9f: {  	s4 =	ssub.s32 $0x0, s20;
	[sflag:s22] =	ssyncset.done $0x0  }
0xa0: {  	[sflag:s22] =	ssyncadd.s32 s4;
	_ =	sdelay $0x1  }
0xa1: {  	s23 =	simm.s32 $0x1B8B  }
0xa2: {  	_ =	swait.ge [sflag:s23], $0x1  }
0xa3: {  	[sflag:s23] =	ssyncset.done $0x0  }
0xa4: {  	s25 =	simm.s32 $0x1B8E;
	s24 =	sld [smem:$0x3FFE];
	[sflag:s23] =	ssyncadd.s32 $0xFFFFFFFF  }
0xa5: {  	s26 =	simm.s32 $execute0_lowered;
	[smem:$0x3FD2] =	sst s25  }
0xa6: {  	s5 =	sshll.u32 s26, $0x1;
	_ =	strace $0x80000046;
	[dreg:$0x1] =	wrdreg $0xFFFFFFFF  }
0xa7: {  	s28 =	simm.s32 $_size_execute0_lowered;
	s3 =	sadd.s32 s3, s5;
	[dreg:$0x0] =	wrdreg $0x0  }
0xa8: {  	s5 =	sshll.u32 s28, $0x1;
	[dreg:$0x2] =	wrdreg s3  }
0xa9: {  	[dreg:$0x3] =	wrdreg s5  }
0xaa: {  	[dreg:$0x4] =	wrdreg $0xC0  }
0xab: {  	_ =	task [dreg:s7], $0x5FFFF  }
0xac: {  	[dreg:$0x1] =	wrdreg $0xFFFFFFFF  }
0xad: {  	[dreg:$0x0] =	wrdreg $0x60  }
0xae: {  	[dreg:$0x2] =	wrdreg s24  }
0xaf: {  	[dreg:$0x3] =	wrdreg s2  }
0xb0: {  	[dreg:$0x4] =	wrdreg $0x9  }
0xb1: {  	_ =	task.clear_ibuf [dreg:s7], $0x5FFFF;
	_ =	strace $0x90000046  }
0xb2: {  	s29 =	simm.s32 $0x9;
	_ =	strace $0x80000048  }
0xb3: {  	_ =	swait.ge [sflag:s29], $0x1  }
0xb4: {  	[sflag:s29] =	ssyncadd.s32 $0xFFFFFFFF  }
0xb5: {  	_ =	strace $0x90000048  }
0xb6: {  	_ =	sfence  }
0xb7: {  	s30 =	sld [smem:$0x0];
	_ =	sdelay $0x2  }
0xb8: {  	s31 =	sshll.u32 s1, $0xD;
	s1 =	sshrl.u32 s1, $0x2  }
0xb9: {  	s3 =	sand.u32 $0x4000, s31;
	s1 =	sadd.s32 s1, s30  }
0xba: {  	s0 =	sor.u32 s3, s0;
	s1 =	sshll.u32 s1, $0x11  }
0xbb: {  	s0 =	sor.u32 s1, s0  }
0xbc: {  	s0 =	sadd.s32 $0x8F2B, s0  }
0xbd: {  	[sflag:s0] =	ssyncadd.remote.s32 $0x1  }
0xbe: {  	_ =	sfence.sel $0xFFFF  }
0xbf: {  	[dreg:$0x0] =	wrdreg $0xFFFFFFFF;
	(pc) =	sbr.abs _section_cstart, $3  }
0xc0: {  	[dreg:$0x1] =	wrdreg $0xFFFFFFFF  }
0xc1: {  	_ =	task.clear_ibuf [dreg:s7], $0x2FFFF;
	_ =	strace $0x9FFFFFFF  }
0xc2: {  	(tm) =	ssettm $0x7FFFFFFF  }
0xc3: {  	_ =	shalt  }
tec
execute0_lowered:
.L_overlay_start_1:
0x0: {  	(tag) =	ssettag $0x1  }
0x1: {  	s0 =	srdreg.scid;
	s10 =	stileid.u32  }
0x2: {  	s1 =	rddreg [dreg:$0x0];
	s6 =	smul.u32 $0xC800, s10  }
0x3: {  	s8 =	rddreg [dreg:$0x1];
	s3 =	simm.s32 $0x0;
	s9 =	smul.u32 $0x64000, s10  }
0x4: {  	s0 =	sand.u32 $0x1, s0;
	s2 =	sshll.u32 s10, $0x1;
	s10 =	smul.u32 $0x320000, s10  }
0x5: {  	s28 =	simm.s32 $0x2;
	s29 =	simm.s32 $0x3;
	s23 =	smul.u32 $0x6400, s0  }
0x6: {  	s30 =	simm.s32 $0x5;
	s31 =	simm.s32 $0x7;
	s26 =	smul.u32 $0x190000, s0  }
0x7: {  	s2 =	sor.u32 s0, s2;
	s22 =	ssub.s32 $0x2, s0;
	s0 =	smul.u32 $0x32000, s0  }
0x8: {  	[smem:$0x7FF] =	sst s3;
	s4 =	sadd.s32 $0xF42E00, s1;
	s5 =	smul.u32 $0xC80, s2  }
0x9: {  	_ =	strace $0x80000047;
	s2 =	smul.u32 $0x190000, s2;
	s7 =	sshrl.u32 s22, $0x1  }
0xa: {  	s6 =	sadd.s32 s23, s6;
	s0 =	sadd.s32 s0, s9;
	s1 =	sadd.s32 s5, s1  }
0xb: {  	s2 =	sshrl.u32 s2, $0x3;
	s5 =	ssub.s32 s22, s7;
	s6 =	sshll.u32 s6, $0x3  }
0xc: {  	[dreg:$0x7] =	wrdreg s0;
	s0 =	simm.s32 $0xA;
	s2 =	sadd.s32 s8, s2  }
0xd: {  	s6 =	sor.u32 $0x400, s6;
	s8 =	sadd.s32 s26, s10;
	s1 =	sadd.s32 $0xA00, s1  }
0xe: {  	s26 =	smax.u32 s5, $0x1;
	s24 =	sadd.s32 $0x30400, s2;
	[dreg:$0x6] =	wrdreg s6  }
0xf: {  	s25 =	sadd.s32 $0x30C00, s2;
	s2 =	sadd.s32 $0x31400, s2;
	[dreg:$0x10] =	wrdreg s1  }
0x10: {  	s10 =	sadd.s32 $0x12000, s8;
	s12 =	sadd.s32 $0x10000, s8;
	[dreg:$0x11] =	wrdreg s26  }
0x11: {  	s14 =	sor.u32 $0xE000, s8;
	s16 =	sor.u32 $0xC000, s8;
	[dreg:$0x3] =	wrdreg s24  }
0x12: {  	s18 =	sor.u32 $0xA000, s8;
	s20 =	sor.u32 $0x8000, s8;
	[dreg:$0x4] =	wrdreg s25  }
0x13: {  	s22 =	sor.u32 $0x6000, s8;
	[dreg:$0x5] =	wrdreg s2;
	s11 =	sshrl.u32 s10, $0x3  }
0x14: {  	s26 =	simm.s32 $0x1;
	s13 =	sshrl.u32 s12, $0x3;
	[dreg:$0x8] =	wrdreg s11  }
0x15: {  	s1 =	simm.s32 $0x9;
	s15 =	sshrl.u32 s14, $0x3;
	[dreg:$0x9] =	wrdreg s13  }
0x16: {  	s6 =	simm.s32 $0x0;
	s17 =	sshrl.u32 s16, $0x3;
	[dreg:$0xa] =	wrdreg s15  }
0x17: {  	s19 =	sshrl.u32 s18, $0x3;
	s21 =	sshrl.u32 s20, $0x3;
	[dreg:$0xb] =	wrdreg s17  }
0x18: {  	s23 =	sshrl.u32 s22, $0x3;
	s24 =	sor.u32 $0x4000, s8;
	[dreg:$0xc] =	wrdreg s19  }
0x19: {  	s16 =	simm.s32 $0x80;
	s12 =	simm.s32 $0x6400;
	[dreg:$0xd] =	wrdreg s21  }
0x1a: {  	s20 =	simm.s32 $0x16400;
	[dreg:$0xe] =	wrdreg s23;
	s25 =	sshrl.u32 s24, $0x3  }
0x1b: {  	s24 =	simm.s32 $0xE400;
	[dreg:$0xf] =	wrdreg s25;
	s25 =	simm.s32 $0x18400  }
.LBB2_1:
0x1c: {  	[dreg:$0x12] =	wrdreg s6  }
0x1d: {  	s2 =	rddreg [dreg:$0x10];
	s13 =	simm.s32 $0x15  }
0x1e: {  	[tilespmem:s3], [sflag:$0x15] =	stream.linear.gather [hbm4b:s2+s3], $0x6400, $0x38;
	[tilespmem:$0x1A400] =	vst v63  }
0x1f: {  	_ =	swait.ge [sflag:s13], $0x6400  }
0x20: {  	[sflag:s13] =	ssyncset.done $0x0  }
0x21: {  	s6 =	simm.s32 $0x6400;
	s5 =	simm.s32 $0x80;
	[sflag:s13] =	ssyncadd.s32 $0xFFFF9C00  }
0x22: {  	[tilespmem:s6], [sflag:$0x1] =	stream.indirect.gather [hbm4b:s4+s5], $0x40, s3, s5, $0xb8;
	[tilespmem:$0x1A400] =	vst v63  }
0x23: {  	s9 =	simm.s32 $0x8400  }
0x24: {  	[tilespmem:s9], [sflag:$0x2] =	stream.indirect.gather [hbm4b:s4+s5], $0x40, s5, s5, $0xb8;
	[tilespmem:$0x1A400] =	vst v63  }
0x25: {  	s14 =	simm.s32 $0x100;
	s10 =	simm.s32 $0xA400  }
0x26: {  	[tilespmem:s10], [sflag:$0x3] =	stream.indirect.gather [hbm4b:s4+s5], $0x40, s14, s5, $0xb8;
	[tilespmem:$0x1A400] =	vst v63  }
0x27: {  	s15 =	simm.s32 $0x180;
	s7 =	simm.s32 $0xC400  }
0x28: {  	[tilespmem:s7], [sflag:$0x4] =	stream.indirect.gather [hbm4b:s4+s5], $0x40, s15, s5, $0xb8;
	[tilespmem:$0x1A400] =	vst v63  }
0x29: {  	s17 =	simm.s32 $0x200;
	s15 =	simm.s32 $0xE400  }
0x2a: {  	[tilespmem:s15], [sflag:$0x5] =	stream.indirect.gather [hbm4b:s4+s5], $0x40, s17, s5, $0xb8;
	[tilespmem:$0x1A400] =	vst v63  }
0x2b: {  	s18 =	simm.s32 $0x280;
	s19 =	simm.s32 $0x10400  }
0x2c: {  	[tilespmem:s19], [sflag:$0x6] =	stream.indirect.gather [hbm4b:s4+s5], $0x40, s18, s5, $0xb8;
	[tilespmem:$0x1A400] =	vst v63  }
0x2d: {  	s21 =	simm.s32 $0x300;
	p0 =	por $0x1, $0x1;
	s17 =	simm.s32 $0x12400  }
0x2e: {  	[tilespmem:s17], [sflag:$0x7] =	stream.indirect.gather [hbm4b:s4+s5], $0x40, s21, s5, $0xb8;
	[tilespmem:$0x1A400] =	vst v63  }
0x2f: {  	s22 =	simm.s32 $0x380;
	s23 =	simm.s32 $0x14400;
	p0 =	por p0, p0  }
0x30: {  	[tilespmem:s23], [sflag:$0x8] =	stream.indirect.gather [hbm4b:s4+s5], $0x40, s22, s5, $0xb8;
	[tilespmem:$0x1A400] =	vst v63  }
0x31: {  	s8 =	simm.s32 $0x400;
	s2 =	simm.s32 @!p0 $0x14;
	s18 =	simm.s32 $0x16400  }
0x32: {  	[tilespmem:s18], [sflag:$0x9] =	stream.indirect.gather [hbm4b:s4+s5], $0x40, s8, s5, $0xb8;
	[tilespmem:$0x1A400] =	vst v63  }
0x33: {  	_ =	swait.ge @!p0 [sflag:s2], $0x2000  }
0x34: {  	[sflag:s2] =	ssyncset.done @!p0 $0x0  }
0x35: {  	s11 =	simm.s32 $0x480;
	[sflag:s2] =	ssyncadd.s32 @!p0 $0xFFFFE000  }
0x36: {  	[tilespmem:s25], [sflag:$0xA] =	stream.indirect.gather [hbm4b:s4+s5], $0x40, s11, s5, $0xb8;
	[tilespmem:$0x1A400] =	vst v63  }
0x37: {  	_ =	swait.ge [sflag:s26], $0x2000  }
0x38: {  	[sflag:s26] =	ssyncset.done $0x0  }
0x39: {  	s13 =	rddreg [dreg:$0x7];
	[sflag:s26] =	ssyncadd.s32 $0xFFFFE000  }
0x3a: {  	s5 =	rddreg [dreg:$0x1]  }
0x3b: {  	p0 =	por $0x0, $0x0;
	s2 =	sadd.s32 s5, s13  }
0x3c: {  	[hbm4b:s2+s3] =	stream.linear.scatter [tilespmem:s6], [sflag:$0xB], $0x2000, $0x38;
	[tilespmem:$0x1A400] =	vst v63  }
0x3d: {  	s6 =	simm.s32 @!p0 $0xB  }
0x3e: {  	_ =	swait.ge @!p0 [sflag:s6], $0x2000  }
0x3f: {  	s7 =	simm.s32 @!p0 $0x500;
	[sflag:s6] =	ssyncset.done @!p0 $0x0  }
0x40: {  	s11 =	simm.s32 @!p0 $0x6400;
	s2 =	simm.s32 @!p0 $0x80;
	[sflag:s6] =	ssyncadd.s32 @!p0 $0xFFFFE000  }
0x41: {  	[tilespmem:s11], [sflag:$0x1] =	stream.indirect.gather @!p0 [hbm4b:s4+s2], $0x40, s7, s2, $0xb8;
	[tilespmem:$0x1A400] =	vst v63  }
0x42: {  	_ =	swait.ge [sflag:s28], $0x2000  }
0x43: {  	s14 =	rddreg [dreg:$0x6];
	[sflag:s28] =	ssyncset.done $0x0  }
0x44: {  	s7 =	simm.s32 @!p0 $0xC;
	[sflag:s28] =	ssyncadd.s32 $0xFFFFE000;
	s6 =	sadd.s32 s5, s14  }
0x45: {  	[hbm4b:s6+s3] =	stream.linear.scatter [tilespmem:s9], [sflag:$0xC], $0x2000, $0x38;
	[tilespmem:$0x1A400] =	vst v63  }
0x46: {  	_ =	swait.ge @!p0 [sflag:s7], $0x2000  }
0x47: {  	[sflag:s7] =	ssyncset.done @!p0 $0x0  }
0x48: {  	s11 =	simm.s32 @!p0 $0x8400;
	s6 =	simm.s32 @!p0 $0x580;
	[sflag:s7] =	ssyncadd.s32 @!p0 $0xFFFFE000  }
0x49: {  	[tilespmem:s11], [sflag:$0x2] =	stream.indirect.gather @!p0 [hbm4b:s4+s2], $0x40, s6, s2, $0xb8;
	[tilespmem:$0x1A400] =	vst v63  }
0x4a: {  	_ =	swait.ge [sflag:s29], $0x2000  }
0x4b: {  	s19 =	rddreg [dreg:$0xf];
	[sflag:s29] =	ssyncset.done $0x0  }
0x4c: {  	s7 =	simm.s32 @p0 $0x4;
	[sflag:s29] =	ssyncadd.s32 $0xFFFFE000;
	s6 =	sadd.s32 s5, s19  }
0x4d: {  	[hbm4b:s6+s3] =	stream.linear.scatter [tilespmem:s10], [sflag:$0xD], $0x2000, $0x38;
	[tilespmem:$0x1A400] =	vst v63  }
0x4e: {  	_ =	swait.ge @p0 [sflag:s7], $0x2000  }
0x4f: {  	s13 =	simm.s32 @!p0 $0xD;
	s6 =	simm.s32 @p0 $0x0;
	[sflag:s7] =	ssyncset.done @p0 $0x0  }
0x50: {  	s11 =	rddreg [dreg:$0x3];
	[sflag:s7] =	ssyncadd.s32 @p0 $0xFFFFE000;
	s7 =	simm.s32 @p0 $0xC400  }
0x51: {  	[hbm4b:s11+s6] =	stream.linear.scatter @p0 [tilespmem:s7], [sflag:$0xE], $0x2000, $0x38;
	[tilespmem:$0x1A400] =	vst v63  }
0x52: {  	_ =	swait.ge @!p0 [sflag:s13], $0x2000  }
0x53: {  	s7 =	simm.s32 @!p0 $0x600;
	[sflag:s13] =	ssyncset.done @!p0 $0x0  }
0x54: {  	s11 =	simm.s32 @!p0 $0xA400;
	[sflag:s13] =	ssyncadd.s32 @!p0 $0xFFFFE000;
	s13 =	simm.s32 @!p0 $0x4  }
0x55: {  	[tilespmem:s11], [sflag:$0x3] =	stream.indirect.gather @!p0 [hbm4b:s4+s2], $0x40, s7, s2, $0xb8;
	[tilespmem:$0x1A400] =	vst v63  }
0x56: {  	s14 =	simm.s32 @!p0 $0xE;
	_ =	swait.ge @!p0 [sflag:s13], $0x2000  }
0x57: {  	s7 =	simm.s32 @!p0 $0x0;
	s11 =	rddreg [dreg:$0xe];
	[sflag:s13] =	ssyncset.done @!p0 $0x0  }
0x58: {  	[sflag:s13] =	ssyncadd.s32 @!p0 $0xFFFFE000;
	s13 =	simm.s32 @!p0 $0xC400;
	s11 =	sadd.s32 @!p0 s5, s11  }
0x59: {  	[hbm4b:s11+s7] =	stream.linear.scatter @!p0 [tilespmem:s13], [sflag:$0xE], $0x2000, $0x38;
	[tilespmem:$0x1A400] =	vst v63  }
0x5a: {  	_ =	swait.ge @!p0 [sflag:s14], $0x2000  }
0x5b: {  	[sflag:s14] =	ssyncset.done @!p0 $0x0  }
0x5c: {  	s11 =	simm.s32 @!p0 $0x680;
	[sflag:s14] =	ssyncadd.s32 @!p0 $0xFFFFE000  }
0x5d: {  	[tilespmem:s13], [sflag:$0x4] =	stream.indirect.gather @!p0 [hbm4b:s4+s2], $0x40, s11, s2, $0xb8;
	[tilespmem:$0x1A400] =	vst v63  }
0x5e: {  	_ =	swait.ge [sflag:s30], $0x2000  }
0x5f: {  	s21 =	rddreg [dreg:$0xd];
	[sflag:s30] =	ssyncset.done $0x0  }
0x60: {  	s13 =	simm.s32 @p0 $0x6;
	[sflag:s30] =	ssyncadd.s32 $0xFFFFE000;
	s11 =	sadd.s32 s5, s21  }
0x61: {  	[hbm4b:s11+s3] =	stream.linear.scatter [tilespmem:s15], [sflag:$0xF], $0x2000, $0x38;
	[tilespmem:$0x1A400] =	vst v63  }
0x62: {  	_ =	swait.ge @p0 [sflag:s13], $0x2000  }
0x63: {  	s14 =	simm.s32 @!p0 $0xF;
	[sflag:s13] =	ssyncset.done @p0 $0x0  }
0x64: {  	s11 =	rddreg [dreg:$0x4];
	[sflag:s13] =	ssyncadd.s32 @p0 $0xFFFFE000;
	s13 =	simm.s32 @p0 $0x10400  }
0x65: {  	[hbm4b:s11+s6] =	stream.linear.scatter @p0 [tilespmem:s13], [sflag:$0x10], $0x2000, $0x38;
	[tilespmem:$0x1A400] =	vst v63  }
0x66: {  	_ =	swait.ge @!p0 [sflag:s14], $0x2000  }
0x67: {  	s11 =	simm.s32 @!p0 $0x700;
	[sflag:s14] =	ssyncset.done @!p0 $0x0  }
0x68: {  	s13 =	simm.s32 @!p0 $0xE400;
	[sflag:s14] =	ssyncadd.s32 @!p0 $0xFFFFE000;
	s14 =	simm.s32 @!p0 $0x6  }
0x69: {  	[tilespmem:s13], [sflag:$0x5] =	stream.indirect.gather @!p0 [hbm4b:s4+s2], $0x40, s11, s2, $0xb8;
	[tilespmem:$0x1A400] =	vst v63  }
0x6a: {  	_ =	swait.ge @!p0 [sflag:s14], $0x2000  }
0x6b: {  	s13 =	simm.s32 @!p0 $0x10400;
	s11 =	rddreg [dreg:$0xc];
	[sflag:s14] =	ssyncset.done @!p0 $0x0  }
0x6c: {  	[sflag:s14] =	ssyncadd.s32 @!p0 $0xFFFFE000;
	s11 =	sadd.s32 @!p0 s5, s11;
	s14 =	simm.s32 @!p0 $0x10  }
0x6d: {  	[hbm4b:s11+s7] =	stream.linear.scatter @!p0 [tilespmem:s13], [sflag:$0x10], $0x2000, $0x38;
	[tilespmem:$0x1A400] =	vst v63  }
0x6e: {  	_ =	swait.ge @!p0 [sflag:s14], $0x2000  }
0x6f: {  	[sflag:s14] =	ssyncset.done @!p0 $0x0  }
0x70: {  	s11 =	simm.s32 @!p0 $0x780;
	[sflag:s14] =	ssyncadd.s32 @!p0 $0xFFFFE000  }
0x71: {  	[tilespmem:s13], [sflag:$0x6] =	stream.indirect.gather @!p0 [hbm4b:s4+s2], $0x40, s11, s2, $0xb8;
	[tilespmem:$0x1A400] =	vst v63  }
0x72: {  	_ =	swait.ge [sflag:s31], $0x2000  }
0x73: {  	s22 =	rddreg [dreg:$0xb];
	[sflag:s31] =	ssyncset.done $0x0  }
0x74: {  	s13 =	simm.s32 @p0 $0x8;
	[sflag:s31] =	ssyncadd.s32 $0xFFFFE000;
	s11 =	sadd.s32 s5, s22  }
0x75: {  	[hbm4b:s11+s3] =	stream.linear.scatter [tilespmem:s17], [sflag:$0x11], $0x2000, $0x38;
	[tilespmem:$0x1A400] =	vst v63  }
0x76: {  	_ =	swait.ge @p0 [sflag:s13], $0x2000  }
0x77: {  	s14 =	simm.s32 @!p0 $0x11;
	[sflag:s13] =	ssyncset.done @p0 $0x0  }
0x78: {  	s11 =	rddreg [dreg:$0x5];
	[sflag:s13] =	ssyncadd.s32 @p0 $0xFFFFE000;
	s13 =	simm.s32 @p0 $0x14400  }
0x79: {  	[hbm4b:s11+s6] =	stream.linear.scatter @p0 [tilespmem:s13], [sflag:$0x12], $0x2000, $0x38;
	[tilespmem:$0x1A400] =	vst v63  }
0x7a: {  	_ =	swait.ge @!p0 [sflag:s14], $0x2000  }
0x7b: {  	s6 =	simm.s32 @!p0 $0x800;
	[sflag:s14] =	ssyncset.done @!p0 $0x0  }
0x7c: {  	s11 =	simm.s32 @!p0 $0x12400;
	s13 =	simm.s32 @!p0 $0x8;
	[sflag:s14] =	ssyncadd.s32 @!p0 $0xFFFFE000  }
0x7d: {  	[tilespmem:s11], [sflag:$0x7] =	stream.indirect.gather @!p0 [hbm4b:s4+s2], $0x40, s6, s2, $0xb8;
	[tilespmem:$0x1A400] =	vst v63  }
0x7e: {  	_ =	swait.ge @!p0 [sflag:s13], $0x2000  }
0x7f: {  	s11 =	simm.s32 @!p0 $0x14400;
	s6 =	rddreg [dreg:$0xa];
	[sflag:s13] =	ssyncset.done @!p0 $0x0  }
0x80: {  	[sflag:s13] =	ssyncadd.s32 @!p0 $0xFFFFE000;
	s6 =	sadd.s32 @!p0 s5, s6;
	s13 =	simm.s32 @!p0 $0x12  }
0x81: {  	[hbm4b:s6+s7] =	stream.linear.scatter @!p0 [tilespmem:s11], [sflag:$0x12], $0x2000, $0x38;
	[tilespmem:$0x1A400] =	vst v63  }
0x82: {  	_ =	swait.ge @!p0 [sflag:s13], $0x2000  }
0x83: {  	[sflag:s13] =	ssyncset.done @!p0 $0x0  }
0x84: {  	s6 =	simm.s32 @!p0 $0x880;
	[sflag:s13] =	ssyncadd.s32 @!p0 $0xFFFFE000  }
0x85: {  	[tilespmem:s11], [sflag:$0x8] =	stream.indirect.gather @!p0 [hbm4b:s4+s2], $0x40, s6, s2, $0xb8;
	[tilespmem:$0x1A400] =	vst v63  }
0x86: {  	_ =	swait.ge [sflag:s1], $0x2000  }
0x87: {  	s23 =	rddreg [dreg:$0x9];
	[sflag:s1] =	ssyncset.done $0x0  }
0x88: {  	s11 =	simm.s32 @!p0 $0x13;
	[sflag:s1] =	ssyncadd.s32 $0xFFFFE000;
	s6 =	sadd.s32 s5, s23  }
0x89: {  	[hbm4b:s6+s3] =	stream.linear.scatter [tilespmem:s18], [sflag:$0x13], $0x2000, $0x38;
	[tilespmem:$0x1A400] =	vst v63  }
0x8a: {  	p6 =	por $0x0, $0x0;
	_ =	swait.ge @!p0 [sflag:s11], $0x2000  }
0x8b: {  	s8 =	simm.s32 $0x8400;
	s7 =	simm.s32 $0x1400;
	[sflag:s11] =	ssyncset.done @!p0 $0x0  }
0x8c: {  	s13 =	simm.s32 @!p0 $0x16400;
	s6 =	simm.s32 @!p0 $0x900;
	[sflag:s11] =	ssyncadd.s32 @!p0 $0xFFFFE000  }
0x8d: {  	[tilespmem:s13], [sflag:$0x9] =	stream.indirect.gather @!p0 [hbm4b:s4+s2], $0x40, s6, s2, $0xb8;
	[tilespmem:$0x1A400] =	vst v63  }
0x8e: {  	s11 =	simm.s32 $0x2800;
	p0 =	por p6, p6;
	_ =	swait.ge [sflag:s0], $0x2000  }
0x8f: {  	s6 =	sadd.s32 $0x2800, s5;
	s2 =	smov.u32 s5;
	[sflag:s0] =	ssyncset.done $0x0  }
0x90: {  	s13 =	simm.s32 @!p0 $0x14;
	s14 =	rddreg [dreg:$0x8];
	[sflag:s0] =	ssyncadd.s32 $0xFFFFE000  }
.LBB2_2:
0x91: {  	s14 =	sadd.s32 s2, s14  }
0x92: {  	[hbm4b:s14+s3] =	stream.linear.scatter [tilespmem:s25], [sflag:$0x14], $0x2000, $0x38;
	[tilespmem:$0x1A400] =	vst v63  }
0x93: {  	_ =	swait.ge @!p0 [sflag:s13], $0x2000  }
0x94: {  	p2 =	seq.s32 s11, $0x0;
	s22 =	sshra.s32 s7, $0x2;
	[sflag:s13] =	ssyncset.done @!p0 $0x0  }
0x95: {  	s15 =	smov.u32 s11;
	s23 =	sadd.s32 $0x480, s22;
	[sflag:s13] =	ssyncadd.s32 @!p0 $0xFFFFE000  }
0x96: {  	[tilespmem:s25], [sflag:$0xA] =	stream.indirect.gather [hbm4b:s4+s16], $0x40, s23, s16, $0xb8;
	[tilespmem:$0x1A400] =	vst v63  }
0x97: {  	p0 =	por p2, p2;
	p2 =	seq.s32 s7, $0x17C00;
	_ =	swait.ge [sflag:s26], $0x2000  }
0x98: {  	s22 =	sshra.s32 @!p2 s7, $0x2;
	s5 =	rddreg [dreg:$0x7];
	[sflag:s26] =	ssyncset.done $0x0  }
0x99: {  	s7 =	smov.u32 s15;
	[sflag:s26] =	ssyncadd.s32 $0xFFFFE000;
	s13 =	sadd.s32 s6, s5  }
0x9a: {  	[hbm4b:s13+s3] =	stream.linear.scatter [tilespmem:s12], [sflag:$0xB], $0x2000, $0x38;
	[tilespmem:$0x1A400] =	vst v63  }
0x9b: {  	s14 =	simm.s32 @!p2 $0x80;
	s17 =	simm.s32 @!p2 $0x6400;
	s13 =	simm.s32 @!p2 $0xB  }
0x9c: {  	s15 =	sadd.s32 @!p2 $0x500, s22;
	s21 =	sadd.s32 @!p2 $0x600, s22;
	_ =	swait.ge @!p2 [sflag:s13], $0x2000  }
0x9d: {  	s23 =	sadd.s32 @!p2 $0x700, s22;
	s19 =	sadd.s32 @!p2 $0x780, s22;
	[sflag:s13] =	ssyncset.done @!p2 $0x0  }
0x9e: {  	s18 =	sadd.s32 @!p2 $0x800, s22;
	s5 =	sadd.s32 @!p2 $0x580, s22;
	[sflag:s13] =	ssyncadd.s32 @!p2 $0xFFFFE000  }
0x9f: {  	[tilespmem:s17], [sflag:$0x1] =	stream.indirect.gather @!p2 [hbm4b:s4+s14], $0x40, s15, s14, $0xb8;
	[tilespmem:$0x1A400] =	vst v63  }
0xa0: {  	s13 =	sadd.s32 @!p2 $0x680, s22;
	s17 =	sadd.s32 @!p2 $0x880, s22;
	_ =	swait.ge [sflag:s28], $0x2000  }
0xa1: {  	s15 =	sadd.s32 @!p2 $0x900, s22;
	s9 =	rddreg [dreg:$0x6];
	[sflag:s28] =	ssyncset.done $0x0  }
0xa2: {  	s22 =	simm.s32 @!p2 $0xC;
	[sflag:s28] =	ssyncadd.s32 $0xFFFFE000;
	s9 =	sadd.s32 s6, s9  }
0xa3: {  	[hbm4b:s9+s3] =	stream.linear.scatter [tilespmem:s8], [sflag:$0xC], $0x2000, $0x38;
	[tilespmem:$0x1A400] =	vst v63  }
0xa4: {  	_ =	swait.ge @!p2 [sflag:s22], $0x2000  }
0xa5: {  	[sflag:s22] =	ssyncset.done @!p2 $0x0  }
0xa6: {  	s9 =	simm.s32 @!p2 $0x8400;
	[sflag:s22] =	ssyncadd.s32 @!p2 $0xFFFFE000  }
0xa7: {  	[tilespmem:s9], [sflag:$0x2] =	stream.indirect.gather @!p2 [hbm4b:s4+s14], $0x40, s5, s14, $0xb8;
	[tilespmem:$0x1A400] =	vst v63  }
0xa8: {  	_ =	swait.ge [sflag:s29], $0x2000  }
0xa9: {  	s10 =	simm.s32 $0xA400;
	s9 =	rddreg [dreg:$0xf];
	[sflag:s29] =	ssyncset.done $0x0  }
0xaa: {  	[sflag:s29] =	ssyncadd.s32 $0xFFFFE000;
	s5 =	sadd.s32 s6, s9;
	s9 =	simm.s32 @p2 $0x4  }
0xab: {  	[hbm4b:s5+s3] =	stream.linear.scatter [tilespmem:s10], [sflag:$0xD], $0x2000, $0x38;
	[tilespmem:$0x1A400] =	vst v63  }
0xac: {  	_ =	swait.ge @p2 [sflag:s9], $0x2000  }
0xad: {  	s22 =	simm.s32 @p2 $0x0;
	s10 =	simm.s32 @!p2 $0xD;
	[sflag:s9] =	ssyncset.done @p2 $0x0  }
0xae: {  	s5 =	rddreg [dreg:$0x3];
	[sflag:s9] =	ssyncadd.s32 @p2 $0xFFFFE000;
	s9 =	simm.s32 @p2 $0xC400  }
0xaf: {  	[hbm4b:s5+s22] =	stream.linear.scatter @p2 [tilespmem:s9], [sflag:$0xE], $0x2000, $0x38;
	[tilespmem:$0x1A400] =	vst v63  }
0xb0: {  	_ =	swait.ge @!p2 [sflag:s10], $0x2000  }
0xb1: {  	[sflag:s10] =	ssyncset.done @!p2 $0x0  }
0xb2: {  	s5 =	simm.s32 @!p2 $0xA400;
	s9 =	simm.s32 @!p2 $0x4;
	[sflag:s10] =	ssyncadd.s32 @!p2 $0xFFFFE000  }
0xb3: {  	[tilespmem:s5], [sflag:$0x3] =	stream.indirect.gather @!p2 [hbm4b:s4+s14], $0x40, s21, s14, $0xb8;
	[tilespmem:$0x1A400] =	vst v63  }
0xb4: {  	s10 =	simm.s32 @!p2 $0xE;
	_ =	swait.ge @!p2 [sflag:s9], $0x2000  }
0xb5: {  	s21 =	simm.s32 @!p2 $0x0;
	[sflag:s9] =	ssyncset.done @!p2 $0x0;
	s5 =	rddreg [dreg:$0xe]  }
0xb6: {  	[sflag:s9] =	ssyncadd.s32 @!p2 $0xFFFFE000;
	s9 =	simm.s32 @!p2 $0xC400;
	s5 =	sadd.s32 @!p2 s6, s5  }
0xb7: {  	[hbm4b:s5+s21] =	stream.linear.scatter @!p2 [tilespmem:s9], [sflag:$0xE], $0x2000, $0x38;
	[tilespmem:$0x1A400] =	vst v63  }
0xb8: {  	_ =	swait.ge @!p2 [sflag:s10], $0x2000  }
0xb9: {  	[sflag:s10] =	ssyncset.done @!p2 $0x0  }
0xba: {  	[sflag:s10] =	ssyncadd.s32 @!p2 $0xFFFFE000  }
0xbb: {  	[tilespmem:s9], [sflag:$0x4] =	stream.indirect.gather @!p2 [hbm4b:s4+s14], $0x40, s13, s14, $0xb8;
	[tilespmem:$0x1A400] =	vst v63  }
0xbc: {  	_ =	swait.ge [sflag:s30], $0x2000  }
0xbd: {  	s10 =	rddreg [dreg:$0xd];
	[sflag:s30] =	ssyncset.done $0x0  }
0xbe: {  	s9 =	simm.s32 @p2 $0x6;
	[sflag:s30] =	ssyncadd.s32 $0xFFFFE000;
	s5 =	sadd.s32 s6, s10  }
0xbf: {  	[hbm4b:s5+s3] =	stream.linear.scatter [tilespmem:s24], [sflag:$0xF], $0x2000, $0x38;
	[tilespmem:$0x1A400] =	vst v63  }
0xc0: {  	_ =	swait.ge @p2 [sflag:s9], $0x2000  }
0xc1: {  	s10 =	simm.s32 @!p2 $0xF;
	[sflag:s9] =	ssyncset.done @p2 $0x0  }
0xc2: {  	s5 =	rddreg [dreg:$0x4];
	[sflag:s9] =	ssyncadd.s32 @p2 $0xFFFFE000;
	s9 =	simm.s32 @p2 $0x10400  }
0xc3: {  	[hbm4b:s5+s22] =	stream.linear.scatter @p2 [tilespmem:s9], [sflag:$0x10], $0x2000, $0x38;
	[tilespmem:$0x1A400] =	vst v63  }
0xc4: {  	_ =	swait.ge @!p2 [sflag:s10], $0x2000  }
0xc5: {  	[sflag:s10] =	ssyncset.done @!p2 $0x0  }
0xc6: {  	s5 =	simm.s32 @!p2 $0xE400;
	s9 =	simm.s32 @!p2 $0x6;
	[sflag:s10] =	ssyncadd.s32 @!p2 $0xFFFFE000  }
0xc7: {  	[tilespmem:s5], [sflag:$0x5] =	stream.indirect.gather @!p2 [hbm4b:s4+s14], $0x40, s23, s14, $0xb8;
	[tilespmem:$0x1A400] =	vst v63  }
0xc8: {  	_ =	swait.ge @!p2 [sflag:s9], $0x2000  }
0xc9: {  	s10 =	simm.s32 @!p2 $0x10;
	[sflag:s9] =	ssyncset.done @!p2 $0x0;
	s5 =	rddreg [dreg:$0xc]  }
0xca: {  	[sflag:s9] =	ssyncadd.s32 @!p2 $0xFFFFE000;
	s9 =	simm.s32 @!p2 $0x10400;
	s5 =	sadd.s32 @!p2 s6, s5  }
0xcb: {  	[hbm4b:s5+s21] =	stream.linear.scatter @!p2 [tilespmem:s9], [sflag:$0x10], $0x2000, $0x38;
	[tilespmem:$0x1A400] =	vst v63  }
0xcc: {  	_ =	swait.ge @!p2 [sflag:s10], $0x2000  }
0xcd: {  	[sflag:s10] =	ssyncset.done @!p2 $0x0  }
0xce: {  	[sflag:s10] =	ssyncadd.s32 @!p2 $0xFFFFE000  }
0xcf: {  	[tilespmem:s9], [sflag:$0x6] =	stream.indirect.gather @!p2 [hbm4b:s4+s14], $0x40, s19, s14, $0xb8;
	[tilespmem:$0x1A400] =	vst v63  }
0xd0: {  	_ =	swait.ge [sflag:s31], $0x2000  }
0xd1: {  	s9 =	simm.s32 @p2 $0x8;
	s13 =	rddreg [dreg:$0xb];
	[sflag:s31] =	ssyncset.done $0x0  }
0xd2: {  	s19 =	simm.s32 $0x12400;
	[sflag:s31] =	ssyncadd.s32 $0xFFFFE000;
	s5 =	sadd.s32 s6, s13  }
0xd3: {  	[hbm4b:s5+s3] =	stream.linear.scatter [tilespmem:s19], [sflag:$0x11], $0x2000, $0x38;
	[tilespmem:$0x1A400] =	vst v63  }
0xd4: {  	_ =	swait.ge @p2 [sflag:s9], $0x2000  }
0xd5: {  	s10 =	simm.s32 @!p2 $0x11;
	[sflag:s9] =	ssyncset.done @p2 $0x0  }
0xd6: {  	s5 =	rddreg [dreg:$0x5];
	[sflag:s9] =	ssyncadd.s32 @p2 $0xFFFFE000;
	s9 =	simm.s32 @p2 $0x14400  }
0xd7: {  	[hbm4b:s5+s22] =	stream.linear.scatter @p2 [tilespmem:s9], [sflag:$0x12], $0x2000, $0x38;
	[tilespmem:$0x1A400] =	vst v63  }
0xd8: {  	_ =	swait.ge @!p2 [sflag:s10], $0x2000  }
0xd9: {  	[sflag:s10] =	ssyncset.done @!p2 $0x0  }
0xda: {  	s5 =	simm.s32 @!p2 $0x12400;
	s9 =	simm.s32 @!p2 $0x8;
	[sflag:s10] =	ssyncadd.s32 @!p2 $0xFFFFE000  }
0xdb: {  	[tilespmem:s5], [sflag:$0x7] =	stream.indirect.gather @!p2 [hbm4b:s4+s14], $0x40, s18, s14, $0xb8;
	[tilespmem:$0x1A400] =	vst v63  }
0xdc: {  	_ =	swait.ge @!p2 [sflag:s9], $0x2000  }
0xdd: {  	s10 =	simm.s32 @!p2 $0x12;
	[sflag:s9] =	ssyncset.done @!p2 $0x0;
	s5 =	rddreg [dreg:$0xa]  }
0xde: {  	[sflag:s9] =	ssyncadd.s32 @!p2 $0xFFFFE000;
	s9 =	simm.s32 @!p2 $0x14400;
	s5 =	sadd.s32 @!p2 s6, s5  }
0xdf: {  	[hbm4b:s5+s21] =	stream.linear.scatter @!p2 [tilespmem:s9], [sflag:$0x12], $0x2000, $0x38;
	[tilespmem:$0x1A400] =	vst v63  }
0xe0: {  	_ =	swait.ge @!p2 [sflag:s10], $0x2000  }
0xe1: {  	[sflag:s10] =	ssyncset.done @!p2 $0x0  }
0xe2: {  	[sflag:s10] =	ssyncadd.s32 @!p2 $0xFFFFE000  }
0xe3: {  	[tilespmem:s9], [sflag:$0x8] =	stream.indirect.gather @!p2 [hbm4b:s4+s14], $0x40, s17, s14, $0xb8;
	[tilespmem:$0x1A400] =	vst v63  }
0xe4: {  	_ =	swait.ge [sflag:s1], $0x2000  }
0xe5: {  	s23 =	rddreg [dreg:$0x9];
	[sflag:s1] =	ssyncset.done $0x0  }
0xe6: {  	s9 =	simm.s32 @!p2 $0x13;
	[sflag:s1] =	ssyncadd.s32 $0xFFFFE000;
	s5 =	sadd.s32 s6, s23  }
0xe7: {  	[hbm4b:s5+s3] =	stream.linear.scatter [tilespmem:s20], [sflag:$0x13], $0x2000, $0x38;
	[tilespmem:$0x1A400] =	vst v63  }
0xe8: {  	s11 =	sadd.s32 $0x1400, s11;
	_ =	swait.ge @!p2 [sflag:s9], $0x2000  }
0xe9: {  	p1 =	sne.s32 s11, $0x19000;
	[sflag:s9] =	ssyncset.done @!p2 $0x0  }
.Ltmp0:
0xea: {  	s5 =	simm.s32 @!p2 $0x16400;
	[sflag:s9] =	ssyncadd.s32 @!p2 $0xFFFFE000;
	(pc) =	sbr.rel @p1 .LBB2_2-.Ltmp0, $4  }
0xeb: {  	[tilespmem:s5], [sflag:$0x9] =	stream.indirect.gather @!p2 [hbm4b:s4+s14], $0x40, s15, s14, $0xb8;
	[tilespmem:$0x1A400] =	vst v63  }
0xec: {  	_ =	swait.ge [sflag:s0], $0x2000  }
0xed: {  	s2 =	smov.u32 s6;
	s13 =	simm.s32 @!p0 $0x14;
	[sflag:s0] =	ssyncset.done $0x0  }
0xee: {  	s6 =	sadd.s32 $0x2800, s6;
	s14 =	rddreg [dreg:$0x8];
	[sflag:s0] =	ssyncadd.s32 $0xFFFFE000  }
0xef: {  	s2 =	sadd.s32 s2, s14  }
0xf0: {  	[hbm4b:s2+s3] =	stream.linear.scatter [tilespmem:s25], [sflag:$0x14], $0x2000, $0x38;
	[tilespmem:$0x1A400] =	vst v63  }
0xf1: {  	_ =	swait.ge @!p0 [sflag:s13], $0x2000  }
0xf2: {  	s11 =	sshra.s32 s7, $0x2;
	[sflag:s13] =	ssyncset.done @!p0 $0x0  }
0xf3: {  	s2 =	sadd.s32 $0x480, s11;
	[sflag:s13] =	ssyncadd.s32 @!p0 $0xFFFFE000  }
0xf4: {  	[tilespmem:s25], [sflag:$0xA] =	stream.indirect.gather [hbm4b:s4+s16], $0x40, s2, s16, $0xb8;
	[tilespmem:$0x1A400] =	vst v63  }
0xf5: {  	_ =	swait.ge [sflag:s26], $0x2000  }
0xf6: {  	p0 =	seq.s32 s7, $0x17C00;
	s14 =	rddreg [dreg:$0x7];
	[sflag:s26] =	ssyncset.done $0x0  }
0xf7: {  	s5 =	simm.s32 @!p0 $0xB;
	[sflag:s26] =	ssyncadd.s32 $0xFFFFE000;
	s2 =	sadd.s32 s6, s14  }
0xf8: {  	[hbm4b:s2+s3] =	stream.linear.scatter [tilespmem:s12], [sflag:$0xB], $0x2000, $0x38;
	[tilespmem:$0x1A400] =	vst v63  }
0xf9: {  	_ =	swait.ge @!p0 [sflag:s5], $0x2000  }
0xfa: {  	s10 =	simm.s32 @!p0 $0x6400;
	s2 =	sshra.s32 @!p0 s7, $0x2;
	[sflag:s5] =	ssyncset.done @!p0 $0x0  }
0xfb: {  	s7 =	simm.s32 @!p0 $0x80;
	s9 =	sadd.s32 @!p0 $0x500, s2;
	[sflag:s5] =	ssyncadd.s32 @!p0 $0xFFFFE000  }
0xfc: {  	[tilespmem:s10], [sflag:$0x1] =	stream.indirect.gather @!p0 [hbm4b:s4+s7], $0x40, s9, s7, $0xb8;
	[tilespmem:$0x1A400] =	vst v63  }
0xfd: {  	_ =	swait.ge [sflag:s28], $0x2000  }
0xfe: {  	s15 =	rddreg [dreg:$0x6];
	[sflag:s28] =	ssyncset.done $0x0  }
0xff: {  	s9 =	simm.s32 @!p0 $0xC;
	[sflag:s28] =	ssyncadd.s32 $0xFFFFE000;
	s5 =	sadd.s32 s6, s15  }
0x100: {  	[hbm4b:s5+s3] =	stream.linear.scatter [tilespmem:s8], [sflag:$0xC], $0x2000, $0x38;
	[tilespmem:$0x1A400] =	vst v63  }
0x101: {  	_ =	swait.ge @!p0 [sflag:s9], $0x2000  }
0x102: {  	[sflag:s9] =	ssyncset.done @!p0 $0x0  }
0x103: {  	s10 =	simm.s32 @!p0 $0x8400;
	s5 =	sadd.s32 @!p0 $0x580, s2;
	[sflag:s9] =	ssyncadd.s32 @!p0 $0xFFFFE000  }
0x104: {  	[tilespmem:s10], [sflag:$0x2] =	stream.indirect.gather @!p0 [hbm4b:s4+s7], $0x40, s5, s7, $0xb8;
	[tilespmem:$0x1A400] =	vst v63  }
0x105: {  	_ =	swait.ge [sflag:s29], $0x2000  }
0x106: {  	s18 =	simm.s32 $0xA400;
	s17 =	rddreg [dreg:$0xf];
	[sflag:s29] =	ssyncset.done $0x0  }
0x107: {  	s9 =	simm.s32 @p0 $0x4;
	[sflag:s29] =	ssyncadd.s32 $0xFFFFE000;
	s5 =	sadd.s32 s6, s17  }
0x108: {  	[hbm4b:s5+s3] =	stream.linear.scatter [tilespmem:s18], [sflag:$0xD], $0x2000, $0x38;
	[tilespmem:$0x1A400] =	vst v63  }
0x109: {  	_ =	swait.ge @p0 [sflag:s9], $0x2000  }
0x10a: {  	s11 =	simm.s32 @p0 $0x0;
	s10 =	simm.s32 @!p0 $0xD;
	[sflag:s9] =	ssyncset.done @p0 $0x0  }
0x10b: {  	s5 =	rddreg [dreg:$0x3];
	[sflag:s9] =	ssyncadd.s32 @p0 $0xFFFFE000;
	s9 =	simm.s32 @p0 $0xC400  }
0x10c: {  	[hbm4b:s5+s11] =	stream.linear.scatter @p0 [tilespmem:s9], [sflag:$0xE], $0x2000, $0x38;
	[tilespmem:$0x1A400] =	vst v63  }
0x10d: {  	_ =	swait.ge @!p0 [sflag:s10], $0x2000  }
0x10e: {  	s5 =	sadd.s32 @!p0 $0x600, s2;
	[sflag:s10] =	ssyncset.done @!p0 $0x0  }
0x10f: {  	s9 =	simm.s32 @!p0 $0xA400;
	[sflag:s10] =	ssyncadd.s32 @!p0 $0xFFFFE000;
	s10 =	simm.s32 @!p0 $0x4  }
0x110: {  	[tilespmem:s9], [sflag:$0x3] =	stream.indirect.gather @!p0 [hbm4b:s4+s7], $0x40, s5, s7, $0xb8;
	[tilespmem:$0x1A400] =	vst v63  }
0x111: {  	_ =	swait.ge @!p0 [sflag:s10], $0x2000  }
0x112: {  	s13 =	simm.s32 @!p0 $0x0;
	s5 =	rddreg [dreg:$0xe];
	[sflag:s10] =	ssyncset.done @!p0 $0x0  }
0x113: {  	s9 =	simm.s32 @!p0 $0xC400;
	[sflag:s10] =	ssyncadd.s32 @!p0 $0xFFFFE000;
	s5 =	sadd.s32 @!p0 s6, s5  }
0x114: {  	[hbm4b:s5+s13] =	stream.linear.scatter @!p0 [tilespmem:s9], [sflag:$0xE], $0x2000, $0x38;
	[tilespmem:$0x1A400] =	vst v63  }
0x115: {  	s5 =	simm.s32 @!p0 $0xE  }
0x116: {  	_ =	swait.ge @!p0 [sflag:s5], $0x2000  }
0x117: {  	[sflag:s5] =	ssyncset.done @!p0 $0x0  }
0x118: {  	[sflag:s5] =	ssyncadd.s32 @!p0 $0xFFFFE000;
	s5 =	sadd.s32 @!p0 $0x680, s2  }
0x119: {  	[tilespmem:s9], [sflag:$0x4] =	stream.indirect.gather @!p0 [hbm4b:s4+s7], $0x40, s5, s7, $0xb8;
	[tilespmem:$0x1A400] =	vst v63  }
0x11a: {  	_ =	swait.ge [sflag:s30], $0x2000  }
0x11b: {  	s19 =	rddreg [dreg:$0xd];
	[sflag:s30] =	ssyncset.done $0x0  }
0x11c: {  	s9 =	simm.s32 @p0 $0x6;
	[sflag:s30] =	ssyncadd.s32 $0xFFFFE000;
	s5 =	sadd.s32 s6, s19  }
0x11d: {  	[hbm4b:s5+s3] =	stream.linear.scatter [tilespmem:s24], [sflag:$0xF], $0x2000, $0x38;
	[tilespmem:$0x1A400] =	vst v63  }
0x11e: {  	_ =	swait.ge @p0 [sflag:s9], $0x2000  }
0x11f: {  	[sflag:s9] =	ssyncset.done @p0 $0x0  }
0x120: {  	s5 =	rddreg [dreg:$0x4];
	[sflag:s9] =	ssyncadd.s32 @p0 $0xFFFFE000;
	s9 =	simm.s32 @p0 $0x10400  }
0x121: {  	[hbm4b:s5+s11] =	stream.linear.scatter @p0 [tilespmem:s9], [sflag:$0x10], $0x2000, $0x38;
	[tilespmem:$0x1A400] =	vst v63  }
0x122: {  	s5 =	simm.s32 @!p0 $0xF  }
0x123: {  	_ =	swait.ge @!p0 [sflag:s5], $0x2000  }
0x124: {  	[sflag:s5] =	ssyncset.done @!p0 $0x0  }
0x125: {  	s9 =	sadd.s32 @!p0 $0x700, s2;
	[sflag:s5] =	ssyncadd.s32 @!p0 $0xFFFFE000;
	s5 =	simm.s32 @!p0 $0xE400  }
0x126: {  	[tilespmem:s5], [sflag:$0x5] =	stream.indirect.gather @!p0 [hbm4b:s4+s7], $0x40, s9, s7, $0xb8;
	[tilespmem:$0x1A400] =	vst v63  }
0x127: {  	s5 =	simm.s32 @!p0 $0x6  }
0x128: {  	_ =	swait.ge @!p0 [sflag:s5], $0x2000  }
0x129: {  	s9 =	rddreg [dreg:$0xc];
	[sflag:s5] =	ssyncset.done @!p0 $0x0  }
0x12a: {  	[sflag:s5] =	ssyncadd.s32 @!p0 $0xFFFFE000;
	s5 =	simm.s32 @!p0 $0x10400;
	s9 =	sadd.s32 @!p0 s6, s9  }
0x12b: {  	[hbm4b:s9+s13] =	stream.linear.scatter @!p0 [tilespmem:s5], [sflag:$0x10], $0x2000, $0x38;
	[tilespmem:$0x1A400] =	vst v63  }
0x12c: {  	s9 =	simm.s32 @!p0 $0x10  }
0x12d: {  	_ =	swait.ge @!p0 [sflag:s9], $0x2000  }
0x12e: {  	[sflag:s9] =	ssyncset.done @!p0 $0x0  }
0x12f: {  	[sflag:s9] =	ssyncadd.s32 @!p0 $0xFFFFE000;
	s9 =	sadd.s32 @!p0 $0x780, s2  }
0x130: {  	[tilespmem:s5], [sflag:$0x6] =	stream.indirect.gather @!p0 [hbm4b:s4+s7], $0x40, s9, s7, $0xb8;
	[tilespmem:$0x1A400] =	vst v63  }
0x131: {  	_ =	swait.ge [sflag:s31], $0x2000  }
0x132: {  	s22 =	simm.s32 $0x12400;
	s21 =	rddreg [dreg:$0xb];
	[sflag:s31] =	ssyncset.done $0x0  }
0x133: {  	s9 =	simm.s32 @p0 $0x8;
	[sflag:s31] =	ssyncadd.s32 $0xFFFFE000;
	s5 =	sadd.s32 s6, s21  }
0x134: {  	[hbm4b:s5+s3] =	stream.linear.scatter [tilespmem:s22], [sflag:$0x11], $0x2000, $0x38;
	[tilespmem:$0x1A400] =	vst v63  }
0x135: {  	_ =	swait.ge @p0 [sflag:s9], $0x2000  }
0x136: {  	[sflag:s9] =	ssyncset.done @p0 $0x0  }
0x137: {  	s5 =	rddreg [dreg:$0x5];
	[sflag:s9] =	ssyncadd.s32 @p0 $0xFFFFE000;
	s9 =	simm.s32 @p0 $0x14400  }
0x138: {  	[hbm4b:s5+s11] =	stream.linear.scatter @p0 [tilespmem:s9], [sflag:$0x12], $0x2000, $0x38;
	[tilespmem:$0x1A400] =	vst v63  }
0x139: {  	s5 =	simm.s32 @!p0 $0x11  }
0x13a: {  	_ =	swait.ge @!p0 [sflag:s5], $0x2000  }
0x13b: {  	[sflag:s5] =	ssyncset.done @!p0 $0x0  }
0x13c: {  	s9 =	sadd.s32 @!p0 $0x800, s2;
	[sflag:s5] =	ssyncadd.s32 @!p0 $0xFFFFE000;
	s5 =	simm.s32 @!p0 $0x12400  }
0x13d: {  	[tilespmem:s5], [sflag:$0x7] =	stream.indirect.gather @!p0 [hbm4b:s4+s7], $0x40, s9, s7, $0xb8;
	[tilespmem:$0x1A400] =	vst v63  }
0x13e: {  	s5 =	simm.s32 @!p0 $0x8  }
0x13f: {  	_ =	swait.ge @!p0 [sflag:s5], $0x2000  }
0x140: {  	s9 =	rddreg [dreg:$0xa];
	[sflag:s5] =	ssyncset.done @!p0 $0x0  }
0x141: {  	[sflag:s5] =	ssyncadd.s32 @!p0 $0xFFFFE000;
	s5 =	simm.s32 @!p0 $0x14400;
	s9 =	sadd.s32 @!p0 s6, s9  }
0x142: {  	[hbm4b:s9+s13] =	stream.linear.scatter @!p0 [tilespmem:s5], [sflag:$0x12], $0x2000, $0x38;
	[tilespmem:$0x1A400] =	vst v63  }
0x143: {  	s9 =	simm.s32 @!p0 $0x12  }
0x144: {  	_ =	swait.ge @!p0 [sflag:s9], $0x2000  }
0x145: {  	[sflag:s9] =	ssyncset.done @!p0 $0x0  }
0x146: {  	[sflag:s9] =	ssyncadd.s32 @!p0 $0xFFFFE000;
	s9 =	sadd.s32 @!p0 $0x880, s2  }
0x147: {  	[tilespmem:s5], [sflag:$0x8] =	stream.indirect.gather @!p0 [hbm4b:s4+s7], $0x40, s9, s7, $0xb8;
	[tilespmem:$0x1A400] =	vst v63  }
0x148: {  	_ =	swait.ge [sflag:s1], $0x2000  }
0x149: {  	s23 =	rddreg [dreg:$0x9];
	[sflag:s1] =	ssyncset.done $0x0  }
0x14a: {  	[sflag:s1] =	ssyncadd.s32 $0xFFFFE000;
	s5 =	sadd.s32 s6, s23  }
0x14b: {  	[hbm4b:s5+s3] =	stream.linear.scatter [tilespmem:s20], [sflag:$0x13], $0x2000, $0x38;
	[tilespmem:$0x1A400] =	vst v63  }
0x14c: {  	s5 =	simm.s32 @!p0 $0x13  }
0x14d: {  	_ =	swait.ge @!p0 [sflag:s5], $0x2000  }
0x14e: {  	[sflag:s5] =	ssyncset.done @!p0 $0x0  }
0x14f: {  	s2 =	sadd.s32 @!p0 $0x900, s2;
	[sflag:s5] =	ssyncadd.s32 @!p0 $0xFFFFE000;
	s5 =	simm.s32 @!p0 $0x16400  }
0x150: {  	[tilespmem:s5], [sflag:$0x9] =	stream.indirect.gather @!p0 [hbm4b:s4+s7], $0x40, s2, s7, $0xb8;
	[tilespmem:$0x1A400] =	vst v63  }
0x151: {  	_ =	swait.ge [sflag:s0], $0x2000  }
0x152: {  	s8 =	rddreg [dreg:$0x8];
	[sflag:s0] =	ssyncset.done $0x0  }
0x153: {  	s9 =	simm.s32 $0xB;
	s2 =	sadd.s32 s6, s8;
	[sflag:s0] =	ssyncadd.s32 $0xFFFFE000  }
0x154: {  	[hbm4b:s2+s3] =	stream.linear.scatter [tilespmem:s25], [sflag:$0x14], $0x2000, $0x38;
	[tilespmem:$0x1A400] =	vst v63  }
0x155: {  	_ =	swait.ge [sflag:s9], $0x2000  }
0x156: {  	[sflag:s9] =	ssyncset.done $0x0  }
0x157: {  	s10 =	simm.s32 $0xC;
	[sflag:s9] =	ssyncadd.s32 $0xFFFFE000  }
0x158: {  	_ =	swait.ge [sflag:s10], $0x2000  }
0x159: {  	[sflag:s10] =	ssyncset.done $0x0  }
0x15a: {  	s11 =	simm.s32 $0xD;
	[sflag:s10] =	ssyncadd.s32 $0xFFFFE000  }
0x15b: {  	_ =	swait.ge [sflag:s11], $0x2000  }
0x15c: {  	[sflag:s11] =	ssyncset.done $0x0  }
0x15d: {  	s13 =	simm.s32 $0xE;
	[sflag:s11] =	ssyncadd.s32 $0xFFFFE000  }
0x15e: {  	_ =	swait.ge [sflag:s13], $0x2000  }
0x15f: {  	[sflag:s13] =	ssyncset.done $0x0  }
0x160: {  	s14 =	simm.s32 $0xF;
	[sflag:s13] =	ssyncadd.s32 $0xFFFFE000  }
0x161: {  	_ =	swait.ge [sflag:s14], $0x2000  }
0x162: {  	[sflag:s14] =	ssyncset.done $0x0  }
0x163: {  	s15 =	simm.s32 $0x10;
	[sflag:s14] =	ssyncadd.s32 $0xFFFFE000  }
0x164: {  	_ =	swait.ge [sflag:s15], $0x2000  }
0x165: {  	[sflag:s15] =	ssyncset.done $0x0  }
0x166: {  	s17 =	simm.s32 $0x11;
	[sflag:s15] =	ssyncadd.s32 $0xFFFFE000  }
0x167: {  	_ =	swait.ge [sflag:s17], $0x2000  }
0x168: {  	[sflag:s17] =	ssyncset.done $0x0  }
0x169: {  	s18 =	simm.s32 $0x12;
	[sflag:s17] =	ssyncadd.s32 $0xFFFFE000  }
0x16a: {  	_ =	swait.ge [sflag:s18], $0x2000  }
0x16b: {  	[sflag:s18] =	ssyncset.done $0x0  }
0x16c: {  	s19 =	simm.s32 $0x13;
	[sflag:s18] =	ssyncadd.s32 $0xFFFFE000  }
0x16d: {  	_ =	swait.ge [sflag:s19], $0x2000  }
0x16e: {  	[sflag:s19] =	ssyncset.done $0x0  }
0x16f: {  	s21 =	simm.s32 $0x14;
	[sflag:s19] =	ssyncadd.s32 $0xFFFFE000  }
0x170: {  	_ =	swait.ge [sflag:s21], $0x2000  }
0x171: {  	s22 =	rddreg [dreg:$0x12]  }
0x172: {  	s23 =	rddreg [dreg:$0x11];
	s6 =	sadd.s32 $0x1, s22  }
0x173: {  	p0 =	sne.s32 s6, s23  }
.Ltmp1:
0x174: {  	_ = 	snop;
	(pc) =	sbr.rel @p0 .LBB2_1-.Ltmp1, $3  }
0x175: {  	_ =	sdelay $0x1  }
0x176: {  	[sflag:s21] =	ssyncset.done $0x0  }
0x177: {  	[sflag:s21] =	ssyncadd.s32 $0xFFFFE000  }
0x178: {  	_ =	sfence.sel $0x180000  }
0x179: {  	[bflag:$0x0] =	sbarrier.arrive $0xFFFF  }
0x17a: {  	_ =	strace $0x90000047  }
0x17b: {  	s0 =	stileid.u32;
	[bflag:$0x2] =	sbarrier.arrive $0xFFFF  }
0x17c: {  	p0 =	sne.s32 s0, $0x0;
	s0 =	rddreg [dreg:$0x2]  }
0x17d: {  	s0 =	sadd.s32 @!p0 $0x100000, s0  }
0x17e: {  	[sflag:s0] =	ssyncadd.tile.s32 @!p0 $0x1;
	_ =	shalt  }
.Lfunc_end2:
_tile_overlayer_lowered:
.L_overlay_start_2:
0x17f: {  	(tag) =	ssettag $0x2  }
0x180: {  	s0 =	rddreg [dreg:$0x0];
	s2 =	stileid.u32  }
0x181: {  	s1 =	rddreg [dreg:$0x1];
	p0 =	sne.s32 s2, $0x0  }
0x182: {  	s3 =	rddreg [dreg:$0x2];
	[bflag:$0x3] =	sbarrier.arrive $0xFFFF;
	s2 =	simm.s32 @!p0 $0x1C15  }
0x183: {  	[timem:s3], [sflag:s2] =	dma.local @!p0 [hbm:s0], s1  }
0x184: {  	s0 =	simm.s32 @!p0 $0x15  }
0x185: {  	_ =	swait.ge @!p0 [sflag:s0], s1  }
0x186: {  	s1 =	ssub.s32 @!p0 $0x0, s1;
	[sflag:s0] =	ssyncset.done @!p0 $0x0  }
0x187: {  	[sflag:s0] =	ssyncadd.s32 @!p0 s1  }
0x188: {  	[bflag:$0x3] =	sbarrier.arrive $0xFFFF  }
0x189: {  	_ =	shalt  }

// kernel: sparse-core-data-format-call.cloned.1.call-start
scs
called_computation_lowered:
.L_overlay_start_0:
0x0: {  	s2 =	sld [smem:$0x3FD9]  }
0x1: {  	s3 =	sld [smem:$0x3FFE];
	_ =	sdelay $0x1  }
0x2: {  	s1 =	srdreg.scid  }
0x3: {  	s0 =	sand.u32 $0x1, s1  }
0x4: {  	s18 =	sshll.u32 s0, $0xA;
	s2 =	sadd.s32 s3, s2  }
0x5: {  	s2 =	sadd.s32 s2, s18  }
0x6: {  	[smem:$0x3FC6] =	sst s2  }
0x7: {  	_ = 	snop  }
0x8: {  	s2 =	sld [smem:$0x3FD0];
	(tm) =	ssettm $0x1  }
0x9: {  	s19 =	sld [smem:$0x3FFB];
	_ =	sdelay $0x3  }
0xa: {  	_ =	strace s19  }
0xb: {  	s3 =	sld [smem:$0x3FFC];
	_ =	sdelay $0x3  }
0xc: {  	_ =	strace s3  }
0xd: {  	s3 =	sld [smem:$0x3FFD];
	_ =	sdelay $0x3  }
0xe: {  	_ =	strace s3  }
0xf: {  	_ =	strace $0x8FFFFFFF  }
0x10: {  	s20 =	sld [smem:$0x3FDB];
	_ =	sdelay $0x1  }
0x11: {  	s4 =	simm.s32 $_scs_section_size  }
0x12: {  	s5 =	simm.s32 $_size__tile_overlayer_lowered;
	s6 =	simm.s32 $_tile_overlayer_lowered  }
0x13: {  	s23 =	simm.s32 $0x1BFF;
	s22 =	sshll.u32 s6, $0x1;
	s3 =	sadd.s32 s4, s20  }
0x14: {  	s7 =	simm.s32 $0x0;
	s21 =	sshll.u32 s5, $0x1;
	s5 =	sadd.s32 s22, s3  }
0x15: {  	[timem:s7], [sflag:s23] =	dma.local [hbm:s5], s21  }
0x16: {  	_ =	swait.ge [sflag:s23], s21  }
0x17: {  	s4 =	ssub.s32 $0x0, s21;
	[sflag:s23] =	ssyncset.done $0x0  }
0x18: {  	[sflag:s23] =	ssyncadd.s32 s4;
	_ =	sdelay $0x1  }
0x19: {  	s24 =	simm.s32 $0x1B8B  }
0x1a: {  	_ =	swait.ge [sflag:s24], $0x1  }
0x1b: {  	[sflag:s24] =	ssyncset.done $0x0  }
0x1c: {  	s26 =	simm.s32 $0x1B8E;
	s25 =	sld [smem:$0x3FFE];
	[sflag:s24] =	ssyncadd.s32 $0xFFFFFFFF  }
0x1d: {  	s27 =	simm.s32 $execute0_lowered;
	[smem:$0x3FD2] =	sst s26  }
0x1e: {  	s5 =	sshll.u32 s27, $0x1;
	_ =	strace $0x80000049;
	[dreg:$0x1] =	wrdreg $0xFFFFFFFF  }
0x1f: {  	s28 =	simm.s32 $_size_execute0_lowered;
	s3 =	sadd.s32 s3, s5;
	[dreg:$0x0] =	wrdreg $0x0  }
0x20: {  	s5 =	sshll.u32 s28, $0x1;
	[dreg:$0x2] =	wrdreg s3  }
0x21: {  	[dreg:$0x3] =	wrdreg s5  }
0x22: {  	[dreg:$0x4] =	wrdreg $0xC0  }
0x23: {  	_ =	task [dreg:s7], $0x5FFFF  }
0x24: {  	[dreg:$0x1] =	wrdreg $0xFFFFFFFF  }
0x25: {  	[dreg:$0x0] =	wrdreg $0x60  }
0x26: {  	[dreg:$0x2] =	wrdreg s25  }
0x27: {  	[dreg:$0x3] =	wrdreg s2  }
0x28: {  	[dreg:$0x4] =	wrdreg $0x9  }
0x29: {  	_ =	task.clear_ibuf [dreg:s7], $0x5FFFF;
	_ =	strace $0x90000049  }
0x2a: {  	s29 =	simm.s32 $0x9;
	_ =	strace $0x8000004B  }
0x2b: {  	_ =	swait.ge [sflag:s29], $0x1  }
0x2c: {  	[sflag:s29] =	ssyncadd.s32 $0xFFFFFFFF  }
0x2d: {  	_ =	strace $0x9000004B  }
0x2e: {  	_ =	sfence  }
0x2f: {  	s30 =	sld [smem:$0x0];
	_ =	sdelay $0x2  }
0x30: {  	s31 =	sshll.u32 s1, $0xD;
	s1 =	sshrl.u32 s1, $0x2  }
0x31: {  	s3 =	sand.u32 $0x4000, s31;
	s1 =	sadd.s32 s1, s30  }
0x32: {  	s0 =	sor.u32 s3, s0;
	s1 =	sshll.u32 s1, $0x11  }
0x33: {  	s0 =	sor.u32 s1, s0  }
0x34: {  	s0 =	sadd.s32 $0x8F2B, s0  }
0x35: {  	[sflag:s0] =	ssyncadd.remote.s32 $0x1  }
0x36: {  	_ =	sfence.sel $0xFFFF  }
0x37: {  	[dreg:$0x0] =	wrdreg $0xFFFFFFFF;
	(pc) =	sbr.abs _section_cstart, $3  }
0x38: {  	[dreg:$0x1] =	wrdreg $0xFFFFFFFF  }
0x39: {  	_ =	task.clear_ibuf [dreg:s7], $0x2FFFF;
	_ =	strace $0x9FFFFFFF  }
0x3a: {  	(tm) =	ssettm $0x7FFFFFFF  }
0x3b: {  	_ =	shalt  }
tec
execute0_lowered:
.L_overlay_start_1:
0x0: {  	(tag) =	ssettag $0x1  }
0x1: {  	s0 =	srdreg.scid  }
0x2: {  	s1 =	sshll.u32 s0, $0x4  }
0x3: {  	s0 =	stileid.u32;
	s1 =	sand.u32 $0x10, s1  }
0x4: {  	s1 =	sor.u32 s0, s1  }
0x5: {  	s6 =	rddreg [dreg:$0x0];
	s4 =	simm.s32 $0x1;
	s2 =	sshll.u32 s1, $0x7  }
0x6: {  	s7 =	simm.s32 $0x2;
	s12 =	simm.s32 $0x0;
	s1 =	ssub.s32 $0x4000, s2  }
0x7: {  	s8 =	simm.s32 $0x20000;
	s13 =	simm.s32 $0x0;
	s3 =	sand.u32 $0xF80, s1  }
0x8: {  	s9 =	simm.s32 $0x0;
	s5 =	sshrl.u32 s1, $0xC;
	p0 =	sne.s32 s3, $0x0  }
.Ltmp0:
0x9: {  	s1 =	rddreg [dreg:$0x2];
	s4 =	simm.s32 @!p0 $0x0;
	(pc) =	sbr.rel .LBB1_1-.Ltmp0, $4  }
0xa: {  	s11 =	simm.s32 $0x0;
	s3 =	rddreg [dreg:$0x1];
	s5 =	sadd.s32 s4, s5  }
0xb: {  	_ =	strace $0x8000004A;
	s4 =	simm.s32 $0x1;
	s5 =	smul.u32 $0x32, s5  }
0xc: {  	s6 =	sadd.s32 $0xA00, s6;
	s10 =	smov.u32 s2;
	[sflag:s4] =	ssyncpa.u1 $0x0  }
0xd: {  	p0 =	por $0x0, $0x0;
	[sflag:s7] =	ssyncpa.u1 $0x0;
	s7 =	sor.u32 $0x1, s5  }
.LBB1_4:
0xe: {  	s16 =	sshll.u32 s13, $0x3;
	s17 =	sand.u32 $0x78, s13  }
0xf: {  	s30 =	sand.u32 $0x1F800, s13;
	s12 =	sshll.u32 s12, $0x11;
	s16 =	sand.u32 $0x3C00, s16  }
0x10: {  	[tilespmem:s15+$0x810 ss:$0x81] =	vst.msk $0xffff, v2;
	s31 =	sand.u32 $0x7, s13;
	s16 =	sor.u32 s17, s16;
	s17 =	sadd.s32 s3, s30  }
0x11: {  	[tilespmem:s15+$0x1020 ss:$0x81] =	vst.msk $0xffff, v0;
	s13 =	sshll.u32 s31, $0x12;
	s12 =	sadd.s32 s12, s17;
	s16 =	sshrl.u32 s16, $0x3  }
0x12: {  	[tilespmem:s15+$0x0 ss:$0x81] =	vst.msk $0xffff, v1;
	s13 =	sor.u32 $0x400, s13;
	s12 =	sadd.s32 s16, s12  }
0x13: {  	[hbm4b:s12+s13] =	stream.strided.scatter [tilespmem:s14], [sflag:$0x2], $0x2000, s8, s13, $0x20;
	[tilespmem:$0x8080] =	vst v63  }
.LBB1_5:
0x14: {  	s14 =	sadd.s32 $0x1, s9  }
0x15: {  	s12 =	sadd.s32 $0x1000, s10;
	s16 =	smov.u32 s10;
	p2 =	sgt.s32 s14, $0x31  }
0x16: {  	s16 =	smov.u32 @p2 s12  }
0x17: {  	s14 =	simm.s32 @p2 $0x0;
	p2 =	sgt.s32 s16, $0x3FFF  }
0x18: {  	s16 =	smov.u32 @p2 s2;
	p2 =	sne.s32 s11, s7  }
.Ltmp1:
0x19: {  	p1 =	slt.u32 s11, $0x2;
	(pc) =	sbr.rel @!p2 .LBB1_6-.Ltmp1, $4  }
0x1a: {  	s15 =	simm.s32 @!p1 $0x2  }
0x1b: {  	s13 =	smov.u32 s10;
	p0 =	por !p0, !p0;
	_ =	swait.ge @!p1 [sflag:s15], $0x2000  }
0x1c: {  	s12 =	smov.u32 s9;
	[sflag:s15] =	ssyncset.done @!p1 $0x0;
	s9 =	smov.u32 s14  }
0x1d: {  	s11 =	sadd.s32 $0x1, s11;
	[sflag:s15] =	ssyncadd.s32 @!p1 $0xFFFFE000;
	s10 =	smov.u32 s16  }
.LBB1_1:
0x1e: {  	p1 =	sge.u32 s11, s5  }
0x1f: {  	s14 =	sand.u32 @!p1 $0x1FFFFFF, s9  }
0x20: {  	s15 =	smulhi.u32 @!p1 $0x4924925, s14;
	_ =	sdelay $0x1  }
0x21: {  	s15 =	smul.u32 @!p1 $0x38, s15  }
0x22: {  	s16 =	sxor.u32 @!p1 $0xFFFFFFFF, s11;
	s17 =	smul.u32 @!p1 $0x380, s10  }
0x23: {  	s31 =	sadd.s32 $0xFFFFFFFF, s11;
	s16 =	sshll.u32 @!p1 s16, $0xD;
	s14 =	ssub.s32 @!p1 s14, s15  }
0x24: {  	s15 =	sand.u32 @!p1 $0x2000, s16;
	s16 =	sadd.s32 @!p1 s6, s17;
	s14 =	sshll.u32 @!p1 s14, $0x4  }
0x25: {  	s17 =	simm.s32 @!p1 $0x1C00;
	s14 =	sadd.s32 @!p1 s14, s16;
	s16 =	simm.s32 @!p1 $0x40  }
0x26: {  	[tilespmem:s15], [sflag:$0x1] =	stream.strided.gather @!p1 [hbm4b:s14+s16], $0x2000, s17, s16, $0x38;
	[tilespmem:$0x8080] =	vst v63  }
0x27: {  	p1 =	sge.u32 s31, s5  }
.Ltmp2:
0x28: {  	_ = 	snop;
	(pc) =	sbr.rel @p1 .LBB1_5-.Ltmp2, $1  }
0x29: {  	_ =	sdelay $0x3  }
0x2a: {  	s14 =	simm.s32 $0x1  }
0x2b: {  	_ =	swait.ge [sflag:s4], $0x2000;
	s14 =	simm.s32 @!p0 $0x0  }
0x2c: {  	[sflag:s4] =	ssyncset.done $0x0;
	s15 =	sshll.u32 s14, $0xD  }
0x2d: {  	[sflag:s4] =	ssyncadd.s32 $0xFFFFE000;
	s18 =	sor.u32 $0x20, s15  }
0x2e: {  	s14 =	smul.u32 $0x8100, s14;
	v3 =	vld [tilespmem:s18+$0x10]  }
0x2f: {  	s30 =	sand.u32 $0x1, s11;
	v2 =	vld [tilespmem:s18+$0xFFFFFFF0]  }
0x30: {  	s15 =	smul.u32 $0x8100, s30;
	s14 =	sshrl.u32 s14, $0x2;
	v0 =	vld [tilespmem:s18+$0x0]  }
0x31: {  	v1 =	vld [tilespmem:s18+$0xFFFFFFE0];
	s16 =	sor.u32 $0x4000, s14  }
0x32: {  	s31 =	sshrl.u32 s15, $0x2;
	s15 =	sadd.s32 $0x0, s16  }
0x33: {  	s17 =	simm.s32 $0x4;
	s18 =	sadd.s32 $0x40, s18;
	s14 =	sor.u32 $0x4000, s31;
	[tilespmem:s15+$0x1830 ss:$0x81] =	vst.msk $0xffff, v3  }
.LBB1_3:
0x34: {  	v3 =	vld [tilespmem:s18+$0x10];
	p1 =	sne.s32 s17, $0x1FC;
	[tilespmem:s15+$0x810 ss:$0x81] =	vst.msk $0xffff, v2;
	s19 =	smov.u32 s17;
	s17 =	sadd.s32 $0x4, s17  }
.Ltmp3:
0x35: {  	v2 =	vld [tilespmem:s18+$0xFFFFFFF0];
	[tilespmem:s15+$0x1020 ss:$0x81] =	vst.msk $0xffff, v0;
	(pc) =	sbr.rel @p1 .LBB1_3-.Ltmp3, $4  }
0x36: {  	v0 =	vld [tilespmem:s18+$0x0];
	[tilespmem:s15+$0x0 ss:$0x81] =	vst.msk $0xffff, v1  }
0x37: {  	s15 =	sshra.s32 s19, $0x2;
	v1 =	vld [tilespmem:s18+$0xFFFFFFE0]  }
0x38: {  	s15 =	sadd.s32 s15, s16  }
0x39: {  	s18 =	sadd.s32 $0x40, s18;
	[tilespmem:s15+$0x1830 ss:$0x81] =	vst.msk $0xffff, v3  }
.Ltmp4:
0x3a: {  	_ = 	snop;
	(pc) =	sbr.rel .LBB1_4-.Ltmp4, $1  }
0x3b: {  	_ =	sdelay $0x3  }
.LBB1_6:
0x3c: {  	_ =	sfence.sel $0x180000  }
0x3d: {  	s2 =	simm.s32 $0x1;
	[bflag:$0x0] =	sbarrier.arrive $0xFFFF  }
0x3e: {  	s31 =	simm.s32 $0x2;
	[sflag:s2] =	ssyncpa.u1 $0x1  }
0x3f: {  	[sflag:s31] =	ssyncpa.u1 $0x1  }
0x40: {  	p0 =	sne.s32 s0, $0x0;
	_ =	strace $0x9000004A  }
0x41: {  	s0 =	sadd.s32 @!p0 $0x100000, s1;
	[bflag:$0x2] =	sbarrier.arrive $0xFFFF  }
0x42: {  	[sflag:s0] =	ssyncadd.tile.s32 @!p0 $0x1;
	_ =	shalt  }
.Lfunc_end1:
_tile_overlayer_lowered:
.L_overlay_start_2:
0x43: {  	(tag) =	ssettag $0x2  }
0x44: {  	s0 =	rddreg [dreg:$0x0];
	s2 =	stileid.u32  }
0x45: {  	s1 =	rddreg [dreg:$0x1];
	p0 =	sne.s32 s2, $0x0  }
0x46: {  	s3 =	rddreg [dreg:$0x2];
	[bflag:$0x3] =	sbarrier.arrive $0xFFFF;
	s2 =	simm.s32 @!p0 $0x1C01  }
0x47: {  	[timem:s3], [sflag:s2] =	dma.local @!p0 [hbm:s0], s1  }
0x48: {  	s0 =	simm.s32 @!p0 $0x1  }
0x49: {  	_ =	swait.ge @!p0 [sflag:s0], s1  }
0x4a: {  	s1 =	ssub.s32 @!p0 $0x0, s1;
	[sflag:s0] =	ssyncset.done @!p0 $0x0  }
0x4b: {  	[sflag:s0] =	ssyncadd.s32 @!p0 s1  }
0x4c: {  	[bflag:$0x3] =	sbarrier.arrive $0xFFFF  }
0x4d: {  	_ =	shalt  }

</sc_bundles>
